<compile_context>
chip_gen: v7x
topology: tpu7x:2x2x1
jax: 0.10.2.dev20260603
libtpu: 0.0.44.dev20260713+nightly
codegen_flags: <defaults>
</compile_context>

<pallas_src>
import functools

import jax
import jax.numpy as jnp
from jax import lax
from jax.experimental import pallas as pl
from jax.experimental.pallas import tpu as pltpu
from jax.experimental.pallas import tpu_sc as plsc

_T = 16
_M = 500000
_D = 2
_B = 4096

_NC = 2
_NS = 16
_L = 16
_RANGE = _M // _NS
_POSBITS = 12
_G = _B // _L

_N = _T * _M * _D
_CBLK = 640000


def _tc_copy_body(x_ref, o_ref):
  o_ref[...] = x_ref[...]


@functools.cache
def _build_tc_copy():
  return pl.pallas_call(
      _tc_copy_body,
      out_shape=jax.ShapeDtypeStruct((_N,), jnp.float32),
      grid=(_N // _CBLK,),
      in_specs=[pl.BlockSpec((_CBLK,), lambda i: (i,))],
      out_specs=pl.BlockSpec((_CBLK,), lambda i: (i,)),
  )


def _sc_body(idx_hbm, val_hbm, out_hbm,
             lp_sh,
             idxv, aux, lpown, iotav, lpf, valrow, vbuf, offv,
             sema, sems):
  c = lax.axis_index("c")
  s = lax.axis_index("s")
  t = s
  d = c
  iota = lax.iota(jnp.int32, _L)

  pltpu.sync_copy(idx_hbm, idxv)
  pltpu.sync_copy(val_hbm.at[t, d], valrow)

  lo = s * _RANGE

  def g1(g, carry):
    a = idxv[pl.ds(g * _L, _L)]
    pos = g * _L + iota
    key = (a << _POSBITS) | pos
    ks, _ = plsc.sort_key_val(key, key)
    asort = ks >> _POSBITS
    psort = ks & (_B - 1)
    offv[pl.ds(0, _L)] = asort
    anext = plsc.load_gather(offv, [jnp.minimum(iota + 1, _L - 1)])
    rel = asort - lo
    inr = (rel >= 0) & (rel < _RANGE)
    mlast = (asort != anext) | (iota == _L - 1)
    plsc.store_scatter(aux, [jnp.where(inr, rel, 0)], psort, mask=mlast & inr)
    return carry

  lax.fori_loop(0, _G, g1, 0)

  def g2(g, carry):
    a = idxv[pl.ds(g * _L, _L)]
    rel = a - lo
    inr = (rel >= 0) & (rel < _RANGE)
    p = plsc.load_gather(aux, [jnp.where(inr, rel, 0)], mask=inr)
    lpown[pl.ds(g * _L, _L)] = jnp.where(inr, p, 0)
    lpf[pl.ds(g * _L, _L)] = iota * 0
    iotav[pl.ds(g * _L, _L)] = g * _L + iota
    return carry

  lax.fori_loop(0, _G, g2, 0)

  @pl.when(s == 0)
  def _init():
    pltpu.sync_copy(lpf, lp_sh)

  plsc.subcore_barrier()
  adds = []
  for blk in range(_B // 128):
    adds.append(pltpu.async_copy(
        lpown.at[pl.ds(blk * 128, 128)],
        lp_sh.at[iotav.at[pl.ds(blk * 128, 128)]], sema,
        add=True))
  for a_ in adds:
    a_.wait()
  plsc.subcore_barrier()
  pltpu.sync_copy(lp_sh, lpf)

  base = t * (_M * _D) + d

  def g3(g, carry):
    a = idxv[pl.ds(g * _L, _L)]
    lpv = lpf[pl.ds(g * _L, _L)]
    v = plsc.load_gather(valrow, [lpv])
    vbuf[pl.ds(g * _L, _L)] = v
    offv[pl.ds(g * _L, _L)] = base + a * _D
    return carry

  lax.fori_loop(0, _G, g3, 0)

  writes = []
  for blk in range(_B // 128):
    writes.append(pltpu.async_copy(
        vbuf.at[pl.ds(blk * 128, 128)],
        out_hbm.at[offv.at[pl.ds(blk * 128, 128)]],
        sems[blk % 8]))
  for w in writes:
    w.wait()


@functools.cache
def _build_sc_scatter():
  return pl.kernel(
      _sc_body,
      out_type=(),
      mesh=plsc.VectorSubcoreMesh(core_axis_name="c", subcore_axis_name="s",
                                  num_cores=_NC, num_subcores=_NS),
      compiler_params=pltpu.CompilerParams(needs_layout_passes=False,
                                           use_tc_tiling_on_sc=False),
      scratch_types=[
          pltpu.VMEM_SHARED((_B,), jnp.int32),
          pltpu.VMEM((_B,), jnp.int32),
          pltpu.VMEM((_RANGE,), jnp.int32),
          pltpu.VMEM((_B,), jnp.int32),
          pltpu.VMEM((_B,), jnp.int32),
          pltpu.VMEM((_B,), jnp.int32),
          pltpu.VMEM((_B,), jnp.float32),
          pltpu.VMEM((_B,), jnp.float32),
          pltpu.VMEM((_B,), jnp.int32),
          pltpu.SemaphoreType.DMA,
          [pltpu.SemaphoreType.DMA] * 8,
      ],
  )


def kernel(mem, idx, val):
  valT = val.transpose(0, 2, 1)
  flat = _build_tc_copy()(mem.reshape(_N))
  ref = jax.new_ref(flat)
  _build_sc_scatter()(idx, valT, ref)
  return ref[...].reshape(_T, _M, _D)

# --- scband reference (transcript-rebuilt; emitter-appended) ---
"""Pipeline reference for scband-buffer-42734924595298 (READ-ONLY COPY).

The authoritative reference and input builder live on the scoring server;
editing this copy changes nothing except your own understanding.
"""

import jax, jax.numpy as jnp
import numpy as np

T = 16        # trajectory history length (time dim of hist)
M = 500000    # buffer_size (memory slots)
D = 2         # coordinate dim per timestep
B = 4096      # number of reservoir writes per update


def setup_inputs(seed: int = 0) -> dict:
    key = jax.random.key(seed)
    k1, k2, k3 = jax.random.split(key, 3)
    mem = jax.random.normal(k1, (T, M, D), dtype=jnp.float32)
    val = jax.random.normal(k2, (T, B, D), dtype=jnp.float32)
    idx = jax.random.randint(k3, (B,), 0, M, dtype=jnp.int32)
    return {"mem": mem, "idx": idx, "val": val}


def reference(mem, idx, val):
    # Faithful jax translation of Buffer.reservior_update's scatter step:
    #   for i: self.hist[:, idx_buffer[i], :] = hist[:, idx_new_data[i], :]
    # i.e. a scatter-overwrite into the replay memory along the slot axis.
    mem_out = mem.at[:, idx, :].set(val)
    return mem_out

if __name__ == "__main__":
    import jax
    _d = setup_inputs()
    print(jax.jit(kernel)(*tuple(_d.values())))

</pallas_src>

<mosaic_0001>
#map = affine_map<(d0, d1) -> (0)>
#map1 = affine_map<(d0, d1) -> (0, 0, 0)>
module attributes {stable_mosaic.version = 14 : i64} {
  func.func @new_body(%arg0: i32, %arg1: i32, %arg2: memref<4096xi32, #tpu.memory_space<hbm>>, %arg3: memref<16x2x4096xf32, #tpu.memory_space<hbm>>, %arg4: memref<16000000xf32, #tpu.memory_space<hbm>>, %arg5: memref<16000000xf32, #tpu.memory_space<hbm>>, %arg6: memref<4096xi32, #tpu.memory_space<vmem_shared>>, %arg7: memref<4096xi32, #tpu.memory_space<vmem>>, %arg8: memref<31250xi32, #tpu.memory_space<vmem>>, %arg9: memref<4096xi32, #tpu.memory_space<vmem>>, %arg10: memref<4096xi32, #tpu.memory_space<vmem>>, %arg11: memref<4096xi32, #tpu.memory_space<vmem>>, %arg12: memref<4096xf32, #tpu.memory_space<vmem>>, %arg13: memref<4096xf32, #tpu.memory_space<vmem>>, %arg14: memref<4096xi32, #tpu.memory_space<vmem>>, %arg15: memref<!tpu.dma_semaphore, #tpu.memory_space<semaphore_mem>>, %arg16: memref<!tpu.dma_semaphore, #tpu.memory_space<semaphore_mem>>, %arg17: memref<!tpu.dma_semaphore, #tpu.memory_space<semaphore_mem>>, %arg18: memref<!tpu.dma_semaphore, #tpu.memory_space<semaphore_mem>>, %arg19: memref<!tpu.dma_semaphore, #tpu.memory_space<semaphore_mem>>, %arg20: memref<!tpu.dma_semaphore, #tpu.memory_space<semaphore_mem>>, %arg21: memref<!tpu.dma_semaphore, #tpu.memory_space<semaphore_mem>>, %arg22: memref<!tpu.dma_semaphore, #tpu.memory_space<semaphore_mem>>, %arg23: memref<!tpu.dma_semaphore, #tpu.memory_space<semaphore_mem>>) attributes {dimension_semantics = [#tpu.dimension_semantics<core_parallel>, #tpu.dimension_semantics<subcore_parallel>], iteration_bounds = array<i64: 2, 16>, scalar_prefetch = 0 : i64, scratch_operands = 18 : i64, tpu.core_type = #tpu.core_type<sc_vector_subcore>, window_params = [{transform_indices = #map}, {transform_indices = #map1}, {transform_indices = #map}, {transform_indices = #map}]} {
    %iota3A = tpu.iota {dimensions = array<i32: 0>} : vector<16xi32>
    "tpu.region"() ({
      %run_scoped3A = tpu.sem_alloc : memref<!tpu.dma_semaphore, #tpu.memory_space<semaphore_mem>>
      tpu.enqueue_dma source(%arg2 : memref<4096xi32, #tpu.memory_space<hbm>>) target(%arg7 : memref<4096xi32, #tpu.memory_space<vmem>>) target_semaphore(%run_scoped3A : memref<!tpu.dma_semaphore, #tpu.memory_space<semaphore_mem>>)
      tpu.wait_dma2 semaphore(%run_scoped3A : memref<!tpu.dma_semaphore, #tpu.memory_space<semaphore_mem>>) src(%arg2 : memref<4096xi32, #tpu.memory_space<hbm>>) dst(%arg7 : memref<4096xi32, #tpu.memory_space<vmem>>)
      tpu.yield
    }) : () -> ()
    "tpu.region"() ({
      %run_scoped3A = tpu.sem_alloc : memref<!tpu.dma_semaphore, #tpu.memory_space<semaphore_mem>>
      %dma_start3A_789 = arith.constant 0 : i32
      %dma_start3A_790 = tpu.memref_slice %arg3[%arg1, %arg0, %dma_start3A_789] : memref<16x2x4096xf32, #tpu.memory_space<hbm>> -> memref<1x1x4096xf32, #tpu.memory_space<hbm>>
      %dma_start3A_791 = tpu.memref_squeeze %dma_start3A_790 : memref<1x1x4096xf32, #tpu.memory_space<hbm>> -> memref<4096xf32, #tpu.memory_space<hbm>>
      %dma_start3A_792 = arith.constant 0 : i32
      %dma_start3A_793 = tpu.memref_slice %arg3[%arg1, %arg0, %dma_start3A_792] : memref<16x2x4096xf32, #tpu.memory_space<hbm>> -> memref<1x1x4096xf32, #tpu.memory_space<hbm>>
      %dma_start3A_794 = tpu.memref_squeeze %dma_start3A_793 : memref<1x1x4096xf32, #tpu.memory_space<hbm>> -> memref<4096xf32, #tpu.memory_space<hbm>>
      tpu.enqueue_dma source(%dma_start3A_794 : memref<4096xf32, #tpu.memory_space<hbm>>) target(%arg12 : memref<4096xf32, #tpu.memory_space<vmem>>) target_semaphore(%run_scoped3A : memref<!tpu.dma_semaphore, #tpu.memory_space<semaphore_mem>>)
      %dma_wait3A_795 = arith.constant 0 : i32
      %dma_wait3A_796 = tpu.memref_slice %arg3[%arg1, %arg0, %dma_wait3A_795] : memref<16x2x4096xf32, #tpu.memory_space<hbm>> -> memref<1x1x4096xf32, #tpu.memory_space<hbm>>
      %dma_wait3A_797 = tpu.memref_squeeze %dma_wait3A_796 : memref<1x1x4096xf32, #tpu.memory_space<hbm>> -> memref<4096xf32, #tpu.memory_space<hbm>>
      %dma_wait3A_798 = arith.constant 0 : i32
      %dma_wait3A_799 = tpu.memref_slice %arg3[%arg1, %arg0, %dma_wait3A_798] : memref<16x2x4096xf32, #tpu.memory_space<hbm>> -> memref<1x1x4096xf32, #tpu.memory_space<hbm>>
      %dma_wait3A_800 = tpu.memref_squeeze %dma_wait3A_799 : memref<1x1x4096xf32, #tpu.memory_space<hbm>> -> memref<4096xf32, #tpu.memory_space<hbm>>
      tpu.wait_dma2 semaphore(%run_scoped3A : memref<!tpu.dma_semaphore, #tpu.memory_space<semaphore_mem>>) src(%dma_wait3A_800 : memref<4096xf32, #tpu.memory_space<hbm>>) dst(%arg12 : memref<4096xf32, #tpu.memory_space<vmem>>)
      tpu.yield
    }) : () -> ()
    %mul3A = arith.constant 31250 : i32
    %mul3A_0 = arith.muli %arg1, %mul3A : i32
    %scan3A = arith.constant 0 : i32
    %scan3A_1 = arith.constant 0 : i32
    %scan3A_2 = arith.constant 256 : i32
    %scan3A_3 = arith.addi %scan3A_1, %scan3A_2 : i32
    %scan3A_4 = arith.constant 1 : i32
    scf.for %scan3A_789 = %scan3A_1 to %scan3A_3 step %scan3A_4  : i32 {
      %mul3A_790 = arith.constant 16 : i32
      %mul3A_791 = arith.muli %scan3A_789, %mul3A_790 : i32
      %get3A = arith.index_cast %mul3A_791 : i32 to index
      %get3A_792 = tpu.vector_load %arg7[%get3A] {strides = array<i32>} : memref<4096xi32, #tpu.memory_space<vmem>>, vector<16xi32>,
      %mul3A_793 = arith.constant 16 : i32
      %mul3A_794 = arith.muli %scan3A_789, %mul3A_793 : i32
      %add3A_795 = vector.broadcast %mul3A_794 : i32 to vector<16xi32>
      %add3A_796 = arith.addi %add3A_795, %iota3A : vector<16xi32>
      %shift_left3A = arith.constant 12 : i32
      %shift_left3A_797 = vector.broadcast %shift_left3A : i32 to vector<16xi32>
      %shift_left3A_798 = arith.shli %get3A_792, %shift_left3A_797 : vector<16xi32>
      %or3A = arith.ori %shift_left3A_798, %add3A_796 : vector<16xi32>
      %masked_sort3A = arith.constant dense<true> : vector<16xi1>
      %masked_sort3A_799 = arith.constant -2147483648 : i32
      %masked_sort3A_800 = vector.broadcast %masked_sort3A_799 : i32 to vector<16xi32>
      %masked_sort3A_801 = arith.xori %or3A, %masked_sort3A_800 : vector<16xi32>
      %masked_sort3A_802, %masked_sort3A_803, %masked_sort3A_804 = tpu.sort %masked_sort3A_801, %or3A masked %masked_sort3A : (vector<16xi32>, vector<16xi32>, vector<16xi1>) -> (vector<16xi1>, vector<16xi32>, vector<16xi32>)
      %masked_sort3A_805 = arith.xori %masked_sort3A_803, %masked_sort3A_800 : vector<16xi32>
      %shift_right_arithmetic3A = arith.constant 12 : i32
      %shift_right_arithmetic3A_806 = vector.broadcast %shift_right_arithmetic3A : i32 to vector<16xi32>
      %shift_right_arithmetic3A_807 = arith.shrsi %masked_sort3A_805, %shift_right_arithmetic3A_806 : vector<16xi32>
      %and3A = arith.constant 4095 : i32
      %and3A_808 = vector.broadcast %and3A : i32 to vector<16xi32>
      %and3A_809 = arith.andi %masked_sort3A_805, %and3A_808 : vector<16xi32>
      %swap3A = arith.constant 0 : index
      %swap3A_810 = tpu.vector_load %arg14[%swap3A] {strides = array<i32>} : memref<4096xi32, #tpu.memory_space<vmem>>, vector<16xi32>,
      tpu.vector_store %arg14[%swap3A], %shift_right_arithmetic3A_807 {strides = array<i32>} : memref<4096xi32, #tpu.memory_space<vmem>>, vector<16xi32>,
      %add3A_811 = arith.constant 1 : i32
      %add3A_812 = vector.broadcast %add3A_811 : i32 to vector<16xi32>
      %add3A_813 = arith.addi %iota3A, %add3A_812 : vector<16xi32>
      %min3A = arith.constant 15 : i32
      %min3A_814 = vector.broadcast %min3A : i32 to vector<16xi32>
      %min3A_815 = arith.minsi %add3A_813, %min3A_814 : vector<16xi32>
      %gather3A = tpu.vector_load_idx %arg14[%min3A_815] : memref<4096xi32, #tpu.memory_space<vmem>>[vector<16xi32>], vector<16xi32>,
      %sub3A = vector.broadcast %mul3A_0 : i32 to vector<16xi32>
      %sub3A_816 = arith.subi %shift_right_arithmetic3A_807, %sub3A : vector<16xi32>
      %ge3A = arith.constant 0 : i32
      %ge3A_817 = vector.broadcast %ge3A : i32 to vector<16xi32>
      %ge3A_818 = arith.cmpi sge, %sub3A_816, %ge3A_817 : vector<16xi32>
      %lt3A = arith.constant 31250 : i32
      %lt3A_819 = vector.broadcast %lt3A : i32 to vector<16xi32>
      %lt3A_820 = arith.cmpi slt, %sub3A_816, %lt3A_819 : vector<16xi32>
      %and3A_821 = arith.andi %ge3A_818, %lt3A_820 : vector<16xi1>
      %ne3A = arith.cmpi ne, %shift_right_arithmetic3A_807, %gather3A : vector<16xi32>
      %eq3A_822 = arith.constant 15 : i32
      %eq3A_823 = vector.broadcast %eq3A_822 : i32 to vector<16xi32>
      %eq3A_824 = arith.cmpi eq, %iota3A, %eq3A_823 : vector<16xi32>
      %or3A_825 = arith.ori %ne3A, %eq3A_824 : vector<16xi1>
      %jit3A = arith.constant 0 : i32
      %broadcast_in_dim3A = vector.broadcast %jit3A : i32 to vector<16xi32>
      %select_n3A = arith.select %and3A_821, %sub3A_816, %broadcast_in_dim3A : vector<16xi1>, vector<16xi32>
      %and3A_826 = arith.andi %or3A_825, %and3A_821 : vector<16xi1>
      tpu.vector_store_idx %arg8[%select_n3A], %and3A_809 masked %and3A_826 : memref<31250xi32, #tpu.memory_space<vmem>>[vector<16xi32>], vector<16xi32>, vector<16xi1>
    }
    %scan3A_5 = arith.constant 256 : i32
    %scan3A_6 = arith.constant 0 : i32
    %scan3A_7 = arith.constant 0 : i32
    %scan3A_8 = arith.constant 256 : i32
    %scan3A_9 = arith.addi %scan3A_7, %scan3A_8 : i32
    %scan3A_10 = arith.constant 1 : i32
    scf.for %scan3A_789 = %scan3A_7 to %scan3A_9 step %scan3A_10  : i32 {
      %mul3A_790 = arith.constant 16 : i32
      %mul3A_791 = arith.muli %scan3A_789, %mul3A_790 : i32
      %get3A = arith.index_cast %mul3A_791 : i32 to index
      %get3A_792 = tpu.vector_load %arg7[%get3A] {strides = array<i32>} : memref<4096xi32, #tpu.memory_space<vmem>>, vector<16xi32>,
      %sub3A = vector.broadcast %mul3A_0 : i32 to vector<16xi32>
      %sub3A_793 = arith.subi %get3A_792, %sub3A : vector<16xi32>
      %ge3A = arith.constant 0 : i32
      %ge3A_794 = vector.broadcast %ge3A : i32 to vector<16xi32>
      %ge3A_795 = arith.cmpi sge, %sub3A_793, %ge3A_794 : vector<16xi32>
      %lt3A = arith.constant 31250 : i32
      %lt3A_796 = vector.broadcast %lt3A : i32 to vector<16xi32>
      %lt3A_797 = arith.cmpi slt, %sub3A_793, %lt3A_796 : vector<16xi32>
      %and3A = arith.andi %ge3A_795, %lt3A_797 : vector<16xi1>
      %jit3A = arith.constant 0 : i32
      %broadcast_in_dim3A = vector.broadcast %jit3A : i32 to vector<16xi32>
      %select_n3A = arith.select %and3A, %sub3A_793, %broadcast_in_dim3A : vector<16xi1>, vector<16xi32>
      %gather3A = tpu.vector_load_idx %arg8[%select_n3A] masked %and3A : memref<31250xi32, #tpu.memory_space<vmem>>[vector<16xi32>], vector<16xi32>, vector<16xi1>
      %jit3A_798 = arith.constant 0 : i32
      %broadcast_in_dim3A_799 = vector.broadcast %jit3A_798 : i32 to vector<16xi32>
      %select_n3A_800 = arith.select %and3A, %gather3A, %broadcast_in_dim3A_799 : vector<16xi1>, vector<16xi32>
      %mul3A_801 = arith.constant 16 : i32
      %mul3A_802 = arith.muli %scan3A_789, %mul3A_801 : i32
      %swap3A = arith.index_cast %mul3A_802 : i32 to index
      %swap3A_803 = tpu.vector_load %arg9[%swap3A] {strides = array<i32>} : memref<4096xi32, #tpu.memory_space<vmem>>, vector<16xi32>,
      tpu.vector_store %arg9[%swap3A], %select_n3A_800 {strides = array<i32>} : memref<4096xi32, #tpu.memory_space<vmem>>, vector<16xi32>,
      %mul3A_804 = arith.constant 0 : i32
      %mul3A_805 = vector.broadcast %mul3A_804 : i32 to vector<16xi32>
      %mul3A_806 = arith.muli %iota3A, %mul3A_805 : vector<16xi32>
      %mul3A_807 = arith.constant 16 : i32
      %mul3A_808 = arith.muli %scan3A_789, %mul3A_807 : i32
      %swap3A_809 = arith.index_cast %mul3A_808 : i32 to index
      %swap3A_810 = tpu.vector_load %arg11[%swap3A_809] {strides = array<i32>} : memref<4096xi32, #tpu.memory_space<vmem>>, vector<16xi32>,
      tpu.vector_store %arg11[%swap3A_809], %mul3A_806 {strides = array<i32>} : memref<4096xi32, #tpu.memory_space<vmem>>, vector<16xi32>,
      %mul3A_811 = arith.constant 16 : i32
      %mul3A_812 = arith.muli %scan3A_789, %mul3A_811 : i32
      %add3A_813 = vector.broadcast %mul3A_812 : i32 to vector<16xi32>
      %add3A_814 = arith.addi %add3A_813, %iota3A : vector<16xi32>
      %mul3A_815 = arith.constant 16 : i32
      %mul3A_816 = arith.muli %scan3A_789, %mul3A_815 : i32
      %swap3A_817 = arith.index_cast %mul3A_816 : i32 to index
      %swap3A_818 = tpu.vector_load %arg10[%swap3A_817] {strides = array<i32>} : memref<4096xi32, #tpu.memory_space<vmem>>, vector<16xi32>,
      tpu.vector_store %arg10[%swap3A_817], %add3A_814 {strides = array<i32>} : memref<4096xi32, #tpu.memory_space<vmem>>, vector<16xi32>,
    }
    %scan3A_11 = arith.constant 256 : i32
    %eq3A = arith.constant 0 : i32
    %eq3A_12 = arith.cmpi eq, %arg1, %eq3A : i32
    %convert_element_type3A = arith.extui %eq3A_12 : i1 to i32
    %cond3A = arith.constant 0 : i32
    %cond3A_13 = arith.cmpi ne, %convert_element_type3A, %cond3A : i32
    scf.if %cond3A_13 {
      "tpu.region"() ({
        %run_scoped3A = tpu.sem_alloc : memref<!tpu.dma_semaphore, #tpu.memory_space<semaphore_mem>>
        tpu.enqueue_dma source(%arg11 : memref<4096xi32, #tpu.memory_space<vmem>>) target(%arg6 : memref<4096xi32, #tpu.memory_space<vmem_shared>>) target_semaphore(%run_scoped3A : memref<!tpu.dma_semaphore, #tpu.memory_space<semaphore_mem>>)
        tpu.wait_dma2 semaphore(%run_scoped3A : memref<!tpu.dma_semaphore, #tpu.memory_space<semaphore_mem>>) src(%arg11 : memref<4096xi32, #tpu.memory_space<vmem>>) dst(%arg6 : memref<4096xi32, #tpu.memory_space<vmem_shared>>)
        tpu.yield
      }) : () -> ()
    } else {
    }
    %barrier3A = arith.constant 0 : index
    tpu.barrier barrier_id(%barrier3A)
    %dma_start3A = arith.constant 0 : i32
    %dma_start3A_14 = tpu.memref_slice %arg9[%dma_start3A] : memref<4096xi32, #tpu.memory_space<vmem>> -> memref<128xi32, #tpu.memory_space<vmem>>
    %dma_start3A_15 = arith.constant 0 : i32
    %dma_start3A_16 = tpu.memref_slice %arg10[%dma_start3A_15] : memref<4096xi32, #tpu.memory_space<vmem>> -> memref<128xi32, #tpu.memory_space<vmem>>
    %dma_start3A_17 = arith.constant 0 : i32
    %dma_start3A_18 = tpu.memref_slice %arg6[%dma_start3A_17] : memref<4096xi32, #tpu.memory_space<vmem_shared>> -> memref<4096xi32, #tpu.memory_space<vmem_shared>>
    tpu.enqueue_indirect_dma source(%dma_start3A_14 : memref<128xi32, #tpu.memory_space<vmem>>) target(%dma_start3A_18 : memref<4096xi32, #tpu.memory_space<vmem_shared>>) offsets(%dma_start3A_16 : memref<128xi32, #tpu.memory_space<vmem>>) semaphore(%arg15 : memref<!tpu.dma_semaphore, #tpu.memory_space<semaphore_mem>>) {add = true}
    %dma_start3A_19 = arith.constant 128 : i32
    %dma_start3A_20 = tpu.memref_slice %arg9[%dma_start3A_19] : memref<4096xi32, #tpu.memory_space<vmem>> -> memref<128xi32, #tpu.memory_space<vmem>>
    %dma_start3A_21 = arith.constant 128 : i32
    %dma_start3A_22 = tpu.memref_slice %arg10[%dma_start3A_21] : memref<4096xi32, #tpu.memory_space<vmem>> -> memref<128xi32, #tpu.memory_space<vmem>>
    %dma_start3A_23 = arith.constant 0 : i32
    %dma_start3A_24 = tpu.memref_slice %arg6[%dma_start3A_23] : memref<4096xi32, #tpu.memory_space<vmem_shared>> -> memref<4096xi32, #tpu.memory_space<vmem_shared>>
    tpu.enqueue_indirect_dma source(%dma_start3A_20 : memref<128xi32, #tpu.memory_space<vmem>>) target(%dma_start3A_24 : memref<4096xi32, #tpu.memory_space<vmem_shared>>) offsets(%dma_start3A_22 : memref<128xi32, #tpu.memory_space<vmem>>) semaphore(%arg15 : memref<!tpu.dma_semaphore, #tpu.memory_space<semaphore_mem>>) {add = true}
    %dma_start3A_25 = arith.constant 256 : i32
    %dma_start3A_26 = tpu.memref_slice %arg9[%dma_start3A_25] : memref<4096xi32, #tpu.memory_space<vmem>> -> memref<128xi32, #tpu.memory_space<vmem>>
    %dma_start3A_27 = arith.constant 256 : i32
    %dma_start3A_28 = tpu.memref_slice %arg10[%dma_start3A_27] : memref<4096xi32, #tpu.memory_space<vmem>> -> memref<128xi32, #tpu.memory_space<vmem>>
    %dma_start3A_29 = arith.constant 0 : i32
    %dma_start3A_30 = tpu.memref_slice %arg6[%dma_start3A_29] : memref<4096xi32, #tpu.memory_space<vmem_shared>> -> memref<4096xi32, #tpu.memory_space<vmem_shared>>
    tpu.enqueue_indirect_dma source(%dma_start3A_26 : memref<128xi32, #tpu.memory_space<vmem>>) target(%dma_start3A_30 : memref<4096xi32, #tpu.memory_space<vmem_shared>>) offsets(%dma_start3A_28 : memref<128xi32, #tpu.memory_space<vmem>>) semaphore(%arg15 : memref<!tpu.dma_semaphore, #tpu.memory_space<semaphore_mem>>) {add = true}
    %dma_start3A_31 = arith.constant 384 : i32
    %dma_start3A_32 = tpu.memref_slice %arg9[%dma_start3A_31] : memref<4096xi32, #tpu.memory_space<vmem>> -> memref<128xi32, #tpu.memory_space<vmem>>
    %dma_start3A_33 = arith.constant 384 : i32
    %dma_start3A_34 = tpu.memref_slice %arg10[%dma_start3A_33] : memref<4096xi32, #tpu.memory_space<vmem>> -> memref<128xi32, #tpu.memory_space<vmem>>
    %dma_start3A_35 = arith.constant 0 : i32
    %dma_start3A_36 = tpu.memref_slice %arg6[%dma_start3A_35] : memref<4096xi32, #tpu.memory_space<vmem_shared>> -> memref<4096xi32, #tpu.memory_space<vmem_shared>>
    tpu.enqueue_indirect_dma source(%dma_start3A_32 : memref<128xi32, #tpu.memory_space<vmem>>) target(%dma_start3A_36 : memref<4096xi32, #tpu.memory_space<vmem_shared>>) offsets(%dma_start3A_34 : memref<128xi32, #tpu.memory_space<vmem>>) semaphore(%arg15 : memref<!tpu.dma_semaphore, #tpu.memory_space<semaphore_mem>>) {add = true}
    %dma_start3A_37 = arith.constant 512 : i32
    %dma_start3A_38 = tpu.memref_slice %arg9[%dma_start3A_37] : memref<4096xi32, #tpu.memory_space<vmem>> -> memref<128xi32, #tpu.memory_space<vmem>>
    %dma_start3A_39 = arith.constant 512 : i32
    %dma_start3A_40 = tpu.memref_slice %arg10[%dma_start3A_39] : memref<4096xi32, #tpu.memory_space<vmem>> -> memref<128xi32, #tpu.memory_space<vmem>>
    %dma_start3A_41 = arith.constant 0 : i32
    %dma_start3A_42 = tpu.memref_slice %arg6[%dma_start3A_41] : memref<4096xi32, #tpu.memory_space<vmem_shared>> -> memref<4096xi32, #tpu.memory_space<vmem_shared>>
    tpu.enqueue_indirect_dma source(%dma_start3A_38 : memref<128xi32, #tpu.memory_space<vmem>>) target(%dma_start3A_42 : memref<4096xi32, #tpu.memory_space<vmem_shared>>) offsets(%dma_start3A_40 : memref<128xi32, #tpu.memory_space<vmem>>) semaphore(%arg15 : memref<!tpu.dma_semaphore, #tpu.memory_space<semaphore_mem>>) {add = true}
    %dma_start3A_43 = arith.constant 640 : i32
    %dma_start3A_44 = tpu.memref_slice %arg9[%dma_start3A_43] : memref<4096xi32, #tpu.memory_space<vmem>> -> memref<128xi32, #tpu.memory_space<vmem>>
    %dma_start3A_45 = arith.constant 640 : i32
    %dma_start3A_46 = tpu.memref_slice %arg10[%dma_start3A_45] : memref<4096xi32, #tpu.memory_space<vmem>> -> memref<128xi32, #tpu.memory_space<vmem>>
    %dma_start3A_47 = arith.constant 0 : i32
    %dma_start3A_48 = tpu.memref_slice %arg6[%dma_start3A_47] : memref<4096xi32, #tpu.memory_space<vmem_shared>> -> memref<4096xi32, #tpu.memory_space<vmem_shared>>
    tpu.enqueue_indirect_dma source(%dma_start3A_44 : memref<128xi32, #tpu.memory_space<vmem>>) target(%dma_start3A_48 : memref<4096xi32, #tpu.memory_space<vmem_shared>>) offsets(%dma_start3A_46 : memref<128xi32, #tpu.memory_space<vmem>>) semaphore(%arg15 : memref<!tpu.dma_semaphore, #tpu.memory_space<semaphore_mem>>) {add = true}
    %dma_start3A_49 = arith.constant 768 : i32
    %dma_start3A_50 = tpu.memref_slice %arg9[%dma_start3A_49] : memref<4096xi32, #tpu.memory_space<vmem>> -> memref<128xi32, #tpu.memory_space<vmem>>
    %dma_start3A_51 = arith.constant 768 : i32
    %dma_start3A_52 = tpu.memref_slice %arg10[%dma_start3A_51] : memref<4096xi32, #tpu.memory_space<vmem>> -> memref<128xi32, #tpu.memory_space<vmem>>
    %dma_start3A_53 = arith.constant 0 : i32
    %dma_start3A_54 = tpu.memref_slice %arg6[%dma_start3A_53] : memref<4096xi32, #tpu.memory_space<vmem_shared>> -> memref<4096xi32, #tpu.memory_space<vmem_shared>>
    tpu.enqueue_indirect_dma source(%dma_start3A_50 : memref<128xi32, #tpu.memory_space<vmem>>) target(%dma_start3A_54 : memref<4096xi32, #tpu.memory_space<vmem_shared>>) offsets(%dma_start3A_52 : memref<128xi32, #tpu.memory_space<vmem>>) semaphore(%arg15 : memref<!tpu.dma_semaphore, #tpu.memory_space<semaphore_mem>>) {add = true}
    %dma_start3A_55 = arith.constant 896 : i32
    %dma_start3A_56 = tpu.memref_slice %arg9[%dma_start3A_55] : memref<4096xi32, #tpu.memory_space<vmem>> -> memref<128xi32, #tpu.memory_space<vmem>>
    %dma_start3A_57 = arith.constant 896 : i32
    %dma_start3A_58 = tpu.memref_slice %arg10[%dma_start3A_57] : memref<4096xi32, #tpu.memory_space<vmem>> -> memref<128xi32, #tpu.memory_space<vmem>>
    %dma_start3A_59 = arith.constant 0 : i32
    %dma_start3A_60 = tpu.memref_slice %arg6[%dma_start3A_59] : memref<4096xi32, #tpu.memory_space<vmem_shared>> -> memref<4096xi32, #tpu.memory_space<vmem_shared>>
    tpu.enqueue_indirect_dma source(%dma_start3A_56 : memref<128xi32, #tpu.memory_space<vmem>>) target(%dma_start3A_60 : memref<4096xi32, #tpu.memory_space<vmem_shared>>) offsets(%dma_start3A_58 : memref<128xi32, #tpu.memory_space<vmem>>) semaphore(%arg15 : memref<!tpu.dma_semaphore, #tpu.memory_space<semaphore_mem>>) {add = true}
    %dma_start3A_61 = arith.constant 1024 : i32
    %dma_start3A_62 = tpu.memref_slice %arg9[%dma_start3A_61] : memref<4096xi32, #tpu.memory_space<vmem>> -> memref<128xi32, #tpu.memory_space<vmem>>
    %dma_start3A_63 = arith.constant 1024 : i32
    %dma_start3A_64 = tpu.memref_slice %arg10[%dma_start3A_63] : memref<4096xi32, #tpu.memory_space<vmem>> -> memref<128xi32, #tpu.memory_space<vmem>>
    %dma_start3A_65 = arith.constant 0 : i32
    %dma_start3A_66 = tpu.memref_slice %arg6[%dma_start3A_65] : memref<4096xi32, #tpu.memory_space<vmem_shared>> -> memref<4096xi32, #tpu.memory_space<vmem_shared>>
    tpu.enqueue_indirect_dma source(%dma_start3A_62 : memref<128xi32, #tpu.memory_space<vmem>>) target(%dma_start3A_66 : memref<4096xi32, #tpu.memory_space<vmem_shared>>) offsets(%dma_start3A_64 : memref<128xi32, #tpu.memory_space<vmem>>) semaphore(%arg15 : memref<!tpu.dma_semaphore, #tpu.memory_space<semaphore_mem>>) {add = true}
    %dma_start3A_67 = arith.constant 1152 : i32
    %dma_start3A_68 = tpu.memref_slice %arg9[%dma_start3A_67] : memref<4096xi32, #tpu.memory_space<vmem>> -> memref<128xi32, #tpu.memory_space<vmem>>
    %dma_start3A_69 = arith.constant 1152 : i32
    %dma_start3A_70 = tpu.memref_slice %arg10[%dma_start3A_69] : memref<4096xi32, #tpu.memory_space<vmem>> -> memref<128xi32, #tpu.memory_space<vmem>>
    %dma_start3A_71 = arith.constant 0 : i32
    %dma_start3A_72 = tpu.memref_slice %arg6[%dma_start3A_71] : memref<4096xi32, #tpu.memory_space<vmem_shared>> -> memref<4096xi32, #tpu.memory_space<vmem_shared>>
    tpu.enqueue_indirect_dma source(%dma_start3A_68 : memref<128xi32, #tpu.memory_space<vmem>>) target(%dma_start3A_72 : memref<4096xi32, #tpu.memory_space<vmem_shared>>) offsets(%dma_start3A_70 : memref<128xi32, #tpu.memory_space<vmem>>) semaphore(%arg15 : memref<!tpu.dma_semaphore, #tpu.memory_space<semaphore_mem>>) {add = true}
    %dma_start3A_73 = arith.constant 1280 : i32
    %dma_start3A_74 = tpu.memref_slice %arg9[%dma_start3A_73] : memref<4096xi32, #tpu.memory_space<vmem>> -> memref<128xi32, #tpu.memory_space<vmem>>
    %dma_start3A_75 = arith.constant 1280 : i32
    %dma_start3A_76 = tpu.memref_slice %arg10[%dma_start3A_75] : memref<4096xi32, #tpu.memory_space<vmem>> -> memref<128xi32, #tpu.memory_space<vmem>>
    %dma_start3A_77 = arith.constant 0 : i32
    %dma_start3A_78 = tpu.memref_slice %arg6[%dma_start3A_77] : memref<4096xi32, #tpu.memory_space<vmem_shared>> -> memref<4096xi32, #tpu.memory_space<vmem_shared>>
    tpu.enqueue_indirect_dma source(%dma_start3A_74 : memref<128xi32, #tpu.memory_space<vmem>>) target(%dma_start3A_78 : memref<4096xi32, #tpu.memory_space<vmem_shared>>) offsets(%dma_start3A_76 : memref<128xi32, #tpu.memory_space<vmem>>) semaphore(%arg15 : memref<!tpu.dma_semaphore, #tpu.memory_space<semaphore_mem>>) {add = true}
    %dma_start3A_79 = arith.constant 1408 : i32
    %dma_start3A_80 = tpu.memref_slice %arg9[%dma_start3A_79] : memref<4096xi32, #tpu.memory_space<vmem>> -> memref<128xi32, #tpu.memory_space<vmem>>
    %dma_start3A_81 = arith.constant 1408 : i32
    %dma_start3A_82 = tpu.memref_slice %arg10[%dma_start3A_81] : memref<4096xi32, #tpu.memory_space<vmem>> -> memref<128xi32, #tpu.memory_space<vmem>>
    %dma_start3A_83 = arith.constant 0 : i32
    %dma_start3A_84 = tpu.memref_slice %arg6[%dma_start3A_83] : memref<4096xi32, #tpu.memory_space<vmem_shared>> -> memref<4096xi32, #tpu.memory_space<vmem_shared>>
    tpu.enqueue_indirect_dma source(%dma_start3A_80 : memref<128xi32, #tpu.memory_space<vmem>>) target(%dma_start3A_84 : memref<4096xi32, #tpu.memory_space<vmem_shared>>) offsets(%dma_start3A_82 : memref<128xi32, #tpu.memory_space<vmem>>) semaphore(%arg15 : memref<!tpu.dma_semaphore, #tpu.memory_space<semaphore_mem>>) {add = true}
    %dma_start3A_85 = arith.constant 1536 : i32
    %dma_start3A_86 = tpu.memref_slice %arg9[%dma_start3A_85] : memref<4096xi32, #tpu.memory_space<vmem>> -> memref<128xi32, #tpu.memory_space<vmem>>
    %dma_start3A_87 = arith.constant 1536 : i32
    %dma_start3A_88 = tpu.memref_slice %arg10[%dma_start3A_87] : memref<4096xi32, #tpu.memory_space<vmem>> -> memref<128xi32, #tpu.memory_space<vmem>>
    %dma_start3A_89 = arith.constant 0 : i32
    %dma_start3A_90 = tpu.memref_slice %arg6[%dma_start3A_89] : memref<4096xi32, #tpu.memory_space<vmem_shared>> -> memref<4096xi32, #tpu.memory_space<vmem_shared>>
    tpu.enqueue_indirect_dma source(%dma_start3A_86 : memref<128xi32, #tpu.memory_space<vmem>>) target(%dma_start3A_90 : memref<4096xi32, #tpu.memory_space<vmem_shared>>) offsets(%dma_start3A_88 : memref<128xi32, #tpu.memory_space<vmem>>) semaphore(%arg15 : memref<!tpu.dma_semaphore, #tpu.memory_space<semaphore_mem>>) {add = true}
    %dma_start3A_91 = arith.constant 1664 : i32
    %dma_start3A_92 = tpu.memref_slice %arg9[%dma_start3A_91] : memref<4096xi32, #tpu.memory_space<vmem>> -> memref<128xi32, #tpu.memory_space<vmem>>
    %dma_start3A_93 = arith.constant 1664 : i32
    %dma_start3A_94 = tpu.memref_slice %arg10[%dma_start3A_93] : memref<4096xi32, #tpu.memory_space<vmem>> -> memref<128xi32, #tpu.memory_space<vmem>>
    %dma_start3A_95 = arith.constant 0 : i32
    %dma_start3A_96 = tpu.memref_slice %arg6[%dma_start3A_95] : memref<4096xi32, #tpu.memory_space<vmem_shared>> -> memref<4096xi32, #tpu.memory_space<vmem_shared>>
    tpu.enqueue_indirect_dma source(%dma_start3A_92 : memref<128xi32, #tpu.memory_space<vmem>>) target(%dma_start3A_96 : memref<4096xi32, #tpu.memory_space<vmem_shared>>) offsets(%dma_start3A_94 : memref<128xi32, #tpu.memory_space<vmem>>) semaphore(%arg15 : memref<!tpu.dma_semaphore, #tpu.memory_space<semaphore_mem>>) {add = true}
    %dma_start3A_97 = arith.constant 1792 : i32
    %dma_start3A_98 = tpu.memref_slice %arg9[%dma_start3A_97] : memref<4096xi32, #tpu.memory_space<vmem>> -> memref<128xi32, #tpu.memory_space<vmem>>
    %dma_start3A_99 = arith.constant 1792 : i32
    %dma_start3A_100 = tpu.memref_slice %arg10[%dma_start3A_99] : memref<4096xi32, #tpu.memory_space<vmem>> -> memref<128xi32, #tpu.memory_space<vmem>>
    %dma_start3A_101 = arith.constant 0 : i32
    %dma_start3A_102 = tpu.memref_slice %arg6[%dma_start3A_101] : memref<4096xi32, #tpu.memory_space<vmem_shared>> -> memref<4096xi32, #tpu.memory_space<vmem_shared>>
    tpu.enqueue_indirect_dma source(%dma_start3A_98 : memref<128xi32, #tpu.memory_space<vmem>>) target(%dma_start3A_102 : memref<4096xi32, #tpu.memory_space<vmem_shared>>) offsets(%dma_start3A_100 : memref<128xi32, #tpu.memory_space<vmem>>) semaphore(%arg15 : memref<!tpu.dma_semaphore, #tpu.memory_space<semaphore_mem>>) {add = true}
    %dma_start3A_103 = arith.constant 1920 : i32
    %dma_start3A_104 = tpu.memref_slice %arg9[%dma_start3A_103] : memref<4096xi32, #tpu.memory_space<vmem>> -> memref<128xi32, #tpu.memory_space<vmem>>
    %dma_start3A_105 = arith.constant 1920 : i32
    %dma_start3A_106 = tpu.memref_slice %arg10[%dma_start3A_105] : memref<4096xi32, #tpu.memory_space<vmem>> -> memref<128xi32, #tpu.memory_space<vmem>>
    %dma_start3A_107 = arith.constant 0 : i32
    %dma_start3A_108 = tpu.memref_slice %arg6[%dma_start3A_107] : memref<4096xi32, #tpu.memory_space<vmem_shared>> -> memref<4096xi32, #tpu.memory_space<vmem_shared>>
    tpu.enqueue_indirect_dma source(%dma_start3A_104 : memref<128xi32, #tpu.memory_space<vmem>>) target(%dma_start3A_108 : memref<4096xi32, #tpu.memory_space<vmem_shared>>) offsets(%dma_start3A_106 : memref<128xi32, #tpu.memory_space<vmem>>) semaphore(%arg15 : memref<!tpu.dma_semaphore, #tpu.memory_space<semaphore_mem>>) {add = true}
    %dma_start3A_109 = arith.constant 2048 : i32
    %dma_start3A_110 = tpu.memref_slice %arg9[%dma_start3A_109] : memref<4096xi32, #tpu.memory_space<vmem>> -> memref<128xi32, #tpu.memory_space<vmem>>
    %dma_start3A_111 = arith.constant 2048 : i32
    %dma_start3A_112 = tpu.memref_slice %arg10[%dma_start3A_111] : memref<4096xi32, #tpu.memory_space<vmem>> -> memref<128xi32, #tpu.memory_space<vmem>>
    %dma_start3A_113 = arith.constant 0 : i32
    %dma_start3A_114 = tpu.memref_slice %arg6[%dma_start3A_113] : memref<4096xi32, #tpu.memory_space<vmem_shared>> -> memref<4096xi32, #tpu.memory_space<vmem_shared>>
    tpu.enqueue_indirect_dma source(%dma_start3A_110 : memref<128xi32, #tpu.memory_space<vmem>>) target(%dma_start3A_114 : memref<4096xi32, #tpu.memory_space<vmem_shared>>) offsets(%dma_start3A_112 : memref<128xi32, #tpu.memory_space<vmem>>) semaphore(%arg15 : memref<!tpu.dma_semaphore, #tpu.memory_space<semaphore_mem>>) {add = true}
    %dma_start3A_115 = arith.constant 2176 : i32
    %dma_start3A_116 = tpu.memref_slice %arg9[%dma_start3A_115] : memref<4096xi32, #tpu.memory_space<vmem>> -> memref<128xi32, #tpu.memory_space<vmem>>
    %dma_start3A_117 = arith.constant 2176 : i32
    %dma_start3A_118 = tpu.memref_slice %arg10[%dma_start3A_117] : memref<4096xi32, #tpu.memory_space<vmem>> -> memref<128xi32, #tpu.memory_space<vmem>>
    %dma_start3A_119 = arith.constant 0 : i32
    %dma_start3A_120 = tpu.memref_slice %arg6[%dma_start3A_119] : memref<4096xi32, #tpu.memory_space<vmem_shared>> -> memref<4096xi32, #tpu.memory_space<vmem_shared>>
    tpu.enqueue_indirect_dma source(%dma_start3A_116 : memref<128xi32, #tpu.memory_space<vmem>>) target(%dma_start3A_120 : memref<4096xi32, #tpu.memory_space<vmem_shared>>) offsets(%dma_start3A_118 : memref<128xi32, #tpu.memory_space<vmem>>) semaphore(%arg15 : memref<!tpu.dma_semaphore, #tpu.memory_space<semaphore_mem>>) {add = true}
    %dma_start3A_121 = arith.constant 2304 : i32
    %dma_start3A_122 = tpu.memref_slice %arg9[%dma_start3A_121] : memref<4096xi32, #tpu.memory_space<vmem>> -> memref<128xi32, #tpu.memory_space<vmem>>
    %dma_start3A_123 = arith.constant 2304 : i32
    %dma_start3A_124 = tpu.memref_slice %arg10[%dma_start3A_123] : memref<4096xi32, #tpu.memory_space<vmem>> -> memref<128xi32, #tpu.memory_space<vmem>>
    %dma_start3A_125 = arith.constant 0 : i32
    %dma_start3A_126 = tpu.memref_slice %arg6[%dma_start3A_125] : memref<4096xi32, #tpu.memory_space<vmem_shared>> -> memref<4096xi32, #tpu.memory_space<vmem_shared>>
    tpu.enqueue_indirect_dma source(%dma_start3A_122 : memref<128xi32, #tpu.memory_space<vmem>>) target(%dma_start3A_126 : memref<4096xi32, #tpu.memory_space<vmem_shared>>) offsets(%dma_start3A_124 : memref<128xi32, #tpu.memory_space<vmem>>) semaphore(%arg15 : memref<!tpu.dma_semaphore, #tpu.memory_space<semaphore_mem>>) {add = true}
    %dma_start3A_127 = arith.constant 2432 : i32
    %dma_start3A_128 = tpu.memref_slice %arg9[%dma_start3A_127] : memref<4096xi32, #tpu.memory_space<vmem>> -> memref<128xi32, #tpu.memory_space<vmem>>
    %dma_start3A_129 = arith.constant 2432 : i32
    %dma_start3A_130 = tpu.memref_slice %arg10[%dma_start3A_129] : memref<4096xi32, #tpu.memory_space<vmem>> -> memref<128xi32, #tpu.memory_space<vmem>>
    %dma_start3A_131 = arith.constant 0 : i32
    %dma_start3A_132 = tpu.memref_slice %arg6[%dma_start3A_131] : memref<4096xi32, #tpu.memory_space<vmem_shared>> -> memref<4096xi32, #tpu.memory_space<vmem_shared>>
    tpu.enqueue_indirect_dma source(%dma_start3A_128 : memref<128xi32, #tpu.memory_space<vmem>>) target(%dma_start3A_132 : memref<4096xi32, #tpu.memory_space<vmem_shared>>) offsets(%dma_start3A_130 : memref<128xi32, #tpu.memory_space<vmem>>) semaphore(%arg15 : memref<!tpu.dma_semaphore, #tpu.memory_space<semaphore_mem>>) {add = true}
    %dma_start3A_133 = arith.constant 2560 : i32
    %dma_start3A_134 = tpu.memref_slice %arg9[%dma_start3A_133] : memref<4096xi32, #tpu.memory_space<vmem>> -> memref<128xi32, #tpu.memory_space<vmem>>
    %dma_start3A_135 = arith.constant 2560 : i32
    %dma_start3A_136 = tpu.memref_slice %arg10[%dma_start3A_135] : memref<4096xi32, #tpu.memory_space<vmem>> -> memref<128xi32, #tpu.memory_space<vmem>>
    %dma_start3A_137 = arith.constant 0 : i32
    %dma_start3A_138 = tpu.memref_slice %arg6[%dma_start3A_137] : memref<4096xi32, #tpu.memory_space<vmem_shared>> -> memref<4096xi32, #tpu.memory_space<vmem_shared>>
    tpu.enqueue_indirect_dma source(%dma_start3A_134 : memref<128xi32, #tpu.memory_space<vmem>>) target(%dma_start3A_138 : memref<4096xi32, #tpu.memory_space<vmem_shared>>) offsets(%dma_start3A_136 : memref<128xi32, #tpu.memory_space<vmem>>) semaphore(%arg15 : memref<!tpu.dma_semaphore, #tpu.memory_space<semaphore_mem>>) {add = true}
    %dma_start3A_139 = arith.constant 2688 : i32
    %dma_start3A_140 = tpu.memref_slice %arg9[%dma_start3A_139] : memref<4096xi32, #tpu.memory_space<vmem>> -> memref<128xi32, #tpu.memory_space<vmem>>
    %dma_start3A_141 = arith.constant 2688 : i32
    %dma_start3A_142 = tpu.memref_slice %arg10[%dma_start3A_141] : memref<4096xi32, #tpu.memory_space<vmem>> -> memref<128xi32, #tpu.memory_space<vmem>>
    %dma_start3A_143 = arith.constant 0 : i32
    %dma_start3A_144 = tpu.memref_slice %arg6[%dma_start3A_143] : memref<4096xi32, #tpu.memory_space<vmem_shared>> -> memref<4096xi32, #tpu.memory_space<vmem_shared>>
    tpu.enqueue_indirect_dma source(%dma_start3A_140 : memref<128xi32, #tpu.memory_space<vmem>>) target(%dma_start3A_144 : memref<4096xi32, #tpu.memory_space<vmem_shared>>) offsets(%dma_start3A_142 : memref<128xi32, #tpu.memory_space<vmem>>) semaphore(%arg15 : memref<!tpu.dma_semaphore, #tpu.memory_space<semaphore_mem>>) {add = true}
    %dma_start3A_145 = arith.constant 2816 : i32
    %dma_start3A_146 = tpu.memref_slice %arg9[%dma_start3A_145] : memref<4096xi32, #tpu.memory_space<vmem>> -> memref<128xi32, #tpu.memory_space<vmem>>
    %dma_start3A_147 = arith.constant 2816 : i32
    %dma_start3A_148 = tpu.memref_slice %arg10[%dma_start3A_147] : memref<4096xi32, #tpu.memory_space<vmem>> -> memref<128xi32, #tpu.memory_space<vmem>>
    %dma_start3A_149 = arith.constant 0 : i32
    %dma_start3A_150 = tpu.memref_slice %arg6[%dma_start3A_149] : memref<4096xi32, #tpu.memory_space<vmem_shared>> -> memref<4096xi32, #tpu.memory_space<vmem_shared>>
    tpu.enqueue_indirect_dma source(%dma_start3A_146 : memref<128xi32, #tpu.memory_space<vmem>>) target(%dma_start3A_150 : memref<4096xi32, #tpu.memory_space<vmem_shared>>) offsets(%dma_start3A_148 : memref<128xi32, #tpu.memory_space<vmem>>) semaphore(%arg15 : memref<!tpu.dma_semaphore, #tpu.memory_space<semaphore_mem>>) {add = true}
    %dma_start3A_151 = arith.constant 2944 : i32
    %dma_start3A_152 = tpu.memref_slice %arg9[%dma_start3A_151] : memref<4096xi32, #tpu.memory_space<vmem>> -> memref<128xi32, #tpu.memory_space<vmem>>
    %dma_start3A_153 = arith.constant 2944 : i32
    %dma_start3A_154 = tpu.memref_slice %arg10[%dma_start3A_153] : memref<4096xi32, #tpu.memory_space<vmem>> -> memref<128xi32, #tpu.memory_space<vmem>>
    %dma_start3A_155 = arith.constant 0 : i32
    %dma_start3A_156 = tpu.memref_slice %arg6[%dma_start3A_155] : memref<4096xi32, #tpu.memory_space<vmem_shared>> -> memref<4096xi32, #tpu.memory_space<vmem_shared>>
    tpu.enqueue_indirect_dma source(%dma_start3A_152 : memref<128xi32, #tpu.memory_space<vmem>>) target(%dma_start3A_156 : memref<4096xi32, #tpu.memory_space<vmem_shared>>) offsets(%dma_start3A_154 : memref<128xi32, #tpu.memory_space<vmem>>) semaphore(%arg15 : memref<!tpu.dma_semaphore, #tpu.memory_space<semaphore_mem>>) {add = true}
    %dma_start3A_157 = arith.constant 3072 : i32
    %dma_start3A_158 = tpu.memref_slice %arg9[%dma_start3A_157] : memref<4096xi32, #tpu.memory_space<vmem>> -> memref<128xi32, #tpu.memory_space<vmem>>
    %dma_start3A_159 = arith.constant 3072 : i32
    %dma_start3A_160 = tpu.memref_slice %arg10[%dma_start3A_159] : memref<4096xi32, #tpu.memory_space<vmem>> -> memref<128xi32, #tpu.memory_space<vmem>>
    %dma_start3A_161 = arith.constant 0 : i32
    %dma_start3A_162 = tpu.memref_slice %arg6[%dma_start3A_161] : memref<4096xi32, #tpu.memory_space<vmem_shared>> -> memref<4096xi32, #tpu.memory_space<vmem_shared>>
    tpu.enqueue_indirect_dma source(%dma_start3A_158 : memref<128xi32, #tpu.memory_space<vmem>>) target(%dma_start3A_162 : memref<4096xi32, #tpu.memory_space<vmem_shared>>) offsets(%dma_start3A_160 : memref<128xi32, #tpu.memory_space<vmem>>) semaphore(%arg15 : memref<!tpu.dma_semaphore, #tpu.memory_space<semaphore_mem>>) {add = true}
    %dma_start3A_163 = arith.constant 3200 : i32
    %dma_start3A_164 = tpu.memref_slice %arg9[%dma_start3A_163] : memref<4096xi32, #tpu.memory_space<vmem>> -> memref<128xi32, #tpu.memory_space<vmem>>
    %dma_start3A_165 = arith.constant 3200 : i32
    %dma_start3A_166 = tpu.memref_slice %arg10[%dma_start3A_165] : memref<4096xi32, #tpu.memory_space<vmem>> -> memref<128xi32, #tpu.memory_space<vmem>>
    %dma_start3A_167 = arith.constant 0 : i32
    %dma_start3A_168 = tpu.memref_slice %arg6[%dma_start3A_167] : memref<4096xi32, #tpu.memory_space<vmem_shared>> -> memref<4096xi32, #tpu.memory_space<vmem_shared>>
    tpu.enqueue_indirect_dma source(%dma_start3A_164 : memref<128xi32, #tpu.memory_space<vmem>>) target(%dma_start3A_168 : memref<4096xi32, #tpu.memory_space<vmem_shared>>) offsets(%dma_start3A_166 : memref<128xi32, #tpu.memory_space<vmem>>) semaphore(%arg15 : memref<!tpu.dma_semaphore, #tpu.memory_space<semaphore_mem>>) {add = true}
    %dma_start3A_169 = arith.constant 3328 : i32
    %dma_start3A_170 = tpu.memref_slice %arg9[%dma_start3A_169] : memref<4096xi32, #tpu.memory_space<vmem>> -> memref<128xi32, #tpu.memory_space<vmem>>
    %dma_start3A_171 = arith.constant 3328 : i32
    %dma_start3A_172 = tpu.memref_slice %arg10[%dma_start3A_171] : memref<4096xi32, #tpu.memory_space<vmem>> -> memref<128xi32, #tpu.memory_space<vmem>>
    %dma_start3A_173 = arith.constant 0 : i32
    %dma_start3A_174 = tpu.memref_slice %arg6[%dma_start3A_173] : memref<4096xi32, #tpu.memory_space<vmem_shared>> -> memref<4096xi32, #tpu.memory_space<vmem_shared>>
    tpu.enqueue_indirect_dma source(%dma_start3A_170 : memref<128xi32, #tpu.memory_space<vmem>>) target(%dma_start3A_174 : memref<4096xi32, #tpu.memory_space<vmem_shared>>) offsets(%dma_start3A_172 : memref<128xi32, #tpu.memory_space<vmem>>) semaphore(%arg15 : memref<!tpu.dma_semaphore, #tpu.memory_space<semaphore_mem>>) {add = true}
    %dma_start3A_175 = arith.constant 3456 : i32
    %dma_start3A_176 = tpu.memref_slice %arg9[%dma_start3A_175] : memref<4096xi32, #tpu.memory_space<vmem>> -> memref<128xi32, #tpu.memory_space<vmem>>
    %dma_start3A_177 = arith.constant 3456 : i32
    %dma_start3A_178 = tpu.memref_slice %arg10[%dma_start3A_177] : memref<4096xi32, #tpu.memory_space<vmem>> -> memref<128xi32, #tpu.memory_space<vmem>>
    %dma_start3A_179 = arith.constant 0 : i32
    %dma_start3A_180 = tpu.memref_slice %arg6[%dma_start3A_179] : memref<4096xi32, #tpu.memory_space<vmem_shared>> -> memref<4096xi32, #tpu.memory_space<vmem_shared>>
    tpu.enqueue_indirect_dma source(%dma_start3A_176 : memref<128xi32, #tpu.memory_space<vmem>>) target(%dma_start3A_180 : memref<4096xi32, #tpu.memory_space<vmem_shared>>) offsets(%dma_start3A_178 : memref<128xi32, #tpu.memory_space<vmem>>) semaphore(%arg15 : memref<!tpu.dma_semaphore, #tpu.memory_space<semaphore_mem>>) {add = true}
    %dma_start3A_181 = arith.constant 3584 : i32
    %dma_start3A_182 = tpu.memref_slice %arg9[%dma_start3A_181] : memref<4096xi32, #tpu.memory_space<vmem>> -> memref<128xi32, #tpu.memory_space<vmem>>
    %dma_start3A_183 = arith.constant 3584 : i32
    %dma_start3A_184 = tpu.memref_slice %arg10[%dma_start3A_183] : memref<4096xi32, #tpu.memory_space<vmem>> -> memref<128xi32, #tpu.memory_space<vmem>>
    %dma_start3A_185 = arith.constant 0 : i32
    %dma_start3A_186 = tpu.memref_slice %arg6[%dma_start3A_185] : memref<4096xi32, #tpu.memory_space<vmem_shared>> -> memref<4096xi32, #tpu.memory_space<vmem_shared>>
    tpu.enqueue_indirect_dma source(%dma_start3A_182 : memref<128xi32, #tpu.memory_space<vmem>>) target(%dma_start3A_186 : memref<4096xi32, #tpu.memory_space<vmem_shared>>) offsets(%dma_start3A_184 : memref<128xi32, #tpu.memory_space<vmem>>) semaphore(%arg15 : memref<!tpu.dma_semaphore, #tpu.memory_space<semaphore_mem>>) {add = true}
    %dma_start3A_187 = arith.constant 3712 : i32
    %dma_start3A_188 = tpu.memref_slice %arg9[%dma_start3A_187] : memref<4096xi32, #tpu.memory_space<vmem>> -> memref<128xi32, #tpu.memory_space<vmem>>
    %dma_start3A_189 = arith.constant 3712 : i32
    %dma_start3A_190 = tpu.memref_slice %arg10[%dma_start3A_189] : memref<4096xi32, #tpu.memory_space<vmem>> -> memref<128xi32, #tpu.memory_space<vmem>>
    %dma_start3A_191 = arith.constant 0 : i32
    %dma_start3A_192 = tpu.memref_slice %arg6[%dma_start3A_191] : memref<4096xi32, #tpu.memory_space<vmem_shared>> -> memref<4096xi32, #tpu.memory_space<vmem_shared>>
    tpu.enqueue_indirect_dma source(%dma_start3A_188 : memref<128xi32, #tpu.memory_space<vmem>>) target(%dma_start3A_192 : memref<4096xi32, #tpu.memory_space<vmem_shared>>) offsets(%dma_start3A_190 : memref<128xi32, #tpu.memory_space<vmem>>) semaphore(%arg15 : memref<!tpu.dma_semaphore, #tpu.memory_space<semaphore_mem>>) {add = true}
    %dma_start3A_193 = arith.constant 3840 : i32
    %dma_start3A_194 = tpu.memref_slice %arg9[%dma_start3A_193] : memref<4096xi32, #tpu.memory_space<vmem>> -> memref<128xi32, #tpu.memory_space<vmem>>
    %dma_start3A_195 = arith.constant 3840 : i32
    %dma_start3A_196 = tpu.memref_slice %arg10[%dma_start3A_195] : memref<4096xi32, #tpu.memory_space<vmem>> -> memref<128xi32, #tpu.memory_space<vmem>>
    %dma_start3A_197 = arith.constant 0 : i32
    %dma_start3A_198 = tpu.memref_slice %arg6[%dma_start3A_197] : memref<4096xi32, #tpu.memory_space<vmem_shared>> -> memref<4096xi32, #tpu.memory_space<vmem_shared>>
    tpu.enqueue_indirect_dma source(%dma_start3A_194 : memref<128xi32, #tpu.memory_space<vmem>>) target(%dma_start3A_198 : memref<4096xi32, #tpu.memory_space<vmem_shared>>) offsets(%dma_start3A_196 : memref<128xi32, #tpu.memory_space<vmem>>) semaphore(%arg15 : memref<!tpu.dma_semaphore, #tpu.memory_space<semaphore_mem>>) {add = true}
    %dma_start3A_199 = arith.constant 3968 : i32
    %dma_start3A_200 = tpu.memref_slice %arg9[%dma_start3A_199] : memref<4096xi32, #tpu.memory_space<vmem>> -> memref<128xi32, #tpu.memory_space<vmem>>
    %dma_start3A_201 = arith.constant 3968 : i32
    %dma_start3A_202 = tpu.memref_slice %arg10[%dma_start3A_201] : memref<4096xi32, #tpu.memory_space<vmem>> -> memref<128xi32, #tpu.memory_space<vmem>>
    %dma_start3A_203 = arith.constant 0 : i32
    %dma_start3A_204 = tpu.memref_slice %arg6[%dma_start3A_203] : memref<4096xi32, #tpu.memory_space<vmem_shared>> -> memref<4096xi32, #tpu.memory_space<vmem_shared>>
    tpu.enqueue_indirect_dma source(%dma_start3A_200 : memref<128xi32, #tpu.memory_space<vmem>>) target(%dma_start3A_204 : memref<4096xi32, #tpu.memory_space<vmem_shared>>) offsets(%dma_start3A_202 : memref<128xi32, #tpu.memory_space<vmem>>) semaphore(%arg15 : memref<!tpu.dma_semaphore, #tpu.memory_space<semaphore_mem>>) {add = true}
    %dma_wait3A = arith.constant 0 : i32
    %dma_wait3A_205 = tpu.memref_slice %arg9[%dma_wait3A] : memref<4096xi32, #tpu.memory_space<vmem>> -> memref<128xi32, #tpu.memory_space<vmem>>
    %dma_wait3A_206 = arith.constant 0 : i32
    %dma_wait3A_207 = tpu.memref_slice %arg10[%dma_wait3A_206] : memref<4096xi32, #tpu.memory_space<vmem>> -> memref<128xi32, #tpu.memory_space<vmem>>
    %dma_wait3A_208 = arith.constant 0 : i32
    %dma_wait3A_209 = tpu.memref_slice %arg6[%dma_wait3A_208] : memref<4096xi32, #tpu.memory_space<vmem_shared>> -> memref<4096xi32, #tpu.memory_space<vmem_shared>>
    tpu.wait_indirect_dma semaphore(%arg15 : memref<!tpu.dma_semaphore, #tpu.memory_space<semaphore_mem>>) src(%dma_wait3A_205 : memref<128xi32, #tpu.memory_space<vmem>>) dst(%dma_wait3A_209 : memref<4096xi32, #tpu.memory_space<vmem_shared>>)
    %dma_wait3A_210 = arith.constant 128 : i32
    %dma_wait3A_211 = tpu.memref_slice %arg9[%dma_wait3A_210] : memref<4096xi32, #tpu.memory_space<vmem>> -> memref<128xi32, #tpu.memory_space<vmem>>
    %dma_wait3A_212 = arith.constant 128 : i32
    %dma_wait3A_213 = tpu.memref_slice %arg10[%dma_wait3A_212] : memref<4096xi32, #tpu.memory_space<vmem>> -> memref<128xi32, #tpu.memory_space<vmem>>
    %dma_wait3A_214 = arith.constant 0 : i32
    %dma_wait3A_215 = tpu.memref_slice %arg6[%dma_wait3A_214] : memref<4096xi32, #tpu.memory_space<vmem_shared>> -> memref<4096xi32, #tpu.memory_space<vmem_shared>>
    tpu.wait_indirect_dma semaphore(%arg15 : memref<!tpu.dma_semaphore, #tpu.memory_space<semaphore_mem>>) src(%dma_wait3A_211 : memref<128xi32, #tpu.memory_space<vmem>>) dst(%dma_wait3A_215 : memref<4096xi32, #tpu.memory_space<vmem_shared>>)
    %dma_wait3A_216 = arith.constant 256 : i32
    %dma_wait3A_217 = tpu.memref_slice %arg9[%dma_wait3A_216] : memref<4096xi32, #tpu.memory_space<vmem>> -> memref<128xi32, #tpu.memory_space<vmem>>
    %dma_wait3A_218 = arith.constant 256 : i32
    %dma_wait3A_219 = tpu.memref_slice %arg10[%dma_wait3A_218] : memref<4096xi32, #tpu.memory_space<vmem>> -> memref<128xi32, #tpu.memory_space<vmem>>
    %dma_wait3A_220 = arith.constant 0 : i32
    %dma_wait3A_221 = tpu.memref_slice %arg6[%dma_wait3A_220] : memref<4096xi32, #tpu.memory_space<vmem_shared>> -> memref<4096xi32, #tpu.memory_space<vmem_shared>>
    tpu.wait_indirect_dma semaphore(%arg15 : memref<!tpu.dma_semaphore, #tpu.memory_space<semaphore_mem>>) src(%dma_wait3A_217 : memref<128xi32, #tpu.memory_space<vmem>>) dst(%dma_wait3A_221 : memref<4096xi32, #tpu.memory_space<vmem_shared>>)
    %dma_wait3A_222 = arith.constant 384 : i32
    %dma_wait3A_223 = tpu.memref_slice %arg9[%dma_wait3A_222] : memref<4096xi32, #tpu.memory_space<vmem>> -> memref<128xi32, #tpu.memory_space<vmem>>
    %dma_wait3A_224 = arith.constant 384 : i32
    %dma_wait3A_225 = tpu.memref_slice %arg10[%dma_wait3A_224] : memref<4096xi32, #tpu.memory_space<vmem>> -> memref<128xi32, #tpu.memory_space<vmem>>
    %dma_wait3A_226 = arith.constant 0 : i32
    %dma_wait3A_227 = tpu.memref_slice %arg6[%dma_wait3A_226] : memref<4096xi32, #tpu.memory_space<vmem_shared>> -> memref<4096xi32, #tpu.memory_space<vmem_shared>>
    tpu.wait_indirect_dma semaphore(%arg15 : memref<!tpu.dma_semaphore, #tpu.memory_space<semaphore_mem>>) src(%dma_wait3A_223 : memref<128xi32, #tpu.memory_space<vmem>>) dst(%dma_wait3A_227 : memref<4096xi32, #tpu.memory_space<vmem_shared>>)
    %dma_wait3A_228 = arith.constant 512 : i32
    %dma_wait3A_229 = tpu.memref_slice %arg9[%dma_wait3A_228] : memref<4096xi32, #tpu.memory_space<vmem>> -> memref<128xi32, #tpu.memory_space<vmem>>
    %dma_wait3A_230 = arith.constant 512 : i32
    %dma_wait3A_231 = tpu.memref_slice %arg10[%dma_wait3A_230] : memref<4096xi32, #tpu.memory_space<vmem>> -> memref<128xi32, #tpu.memory_space<vmem>>
    %dma_wait3A_232 = arith.constant 0 : i32
    %dma_wait3A_233 = tpu.memref_slice %arg6[%dma_wait3A_232] : memref<4096xi32, #tpu.memory_space<vmem_shared>> -> memref<4096xi32, #tpu.memory_space<vmem_shared>>
    tpu.wait_indirect_dma semaphore(%arg15 : memref<!tpu.dma_semaphore, #tpu.memory_space<semaphore_mem>>) src(%dma_wait3A_229 : memref<128xi32, #tpu.memory_space<vmem>>) dst(%dma_wait3A_233 : memref<4096xi32, #tpu.memory_space<vmem_shared>>)
    %dma_wait3A_234 = arith.constant 640 : i32
    %dma_wait3A_235 = tpu.memref_slice %arg9[%dma_wait3A_234] : memref<4096xi32, #tpu.memory_space<vmem>> -> memref<128xi32, #tpu.memory_space<vmem>>
    %dma_wait3A_236 = arith.constant 640 : i32
    %dma_wait3A_237 = tpu.memref_slice %arg10[%dma_wait3A_236] : memref<4096xi32, #tpu.memory_space<vmem>> -> memref<128xi32, #tpu.memory_space<vmem>>
    %dma_wait3A_238 = arith.constant 0 : i32
    %dma_wait3A_239 = tpu.memref_slice %arg6[%dma_wait3A_238] : memref<4096xi32, #tpu.memory_space<vmem_shared>> -> memref<4096xi32, #tpu.memory_space<vmem_shared>>
    tpu.wait_indirect_dma semaphore(%arg15 : memref<!tpu.dma_semaphore, #tpu.memory_space<semaphore_mem>>) src(%dma_wait3A_235 : memref<128xi32, #tpu.memory_space<vmem>>) dst(%dma_wait3A_239 : memref<4096xi32, #tpu.memory_space<vmem_shared>>)
    %dma_wait3A_240 = arith.constant 768 : i32
    %dma_wait3A_241 = tpu.memref_slice %arg9[%dma_wait3A_240] : memref<4096xi32, #tpu.memory_space<vmem>> -> memref<128xi32, #tpu.memory_space<vmem>>
    %dma_wait3A_242 = arith.constant 768 : i32
    %dma_wait3A_243 = tpu.memref_slice %arg10[%dma_wait3A_242] : memref<4096xi32, #tpu.memory_space<vmem>> -> memref<128xi32, #tpu.memory_space<vmem>>
    %dma_wait3A_244 = arith.constant 0 : i32
    %dma_wait3A_245 = tpu.memref_slice %arg6[%dma_wait3A_244] : memref<4096xi32, #tpu.memory_space<vmem_shared>> -> memref<4096xi32, #tpu.memory_space<vmem_shared>>
    tpu.wait_indirect_dma semaphore(%arg15 : memref<!tpu.dma_semaphore, #tpu.memory_space<semaphore_mem>>) src(%dma_wait3A_241 : memref<128xi32, #tpu.memory_space<vmem>>) dst(%dma_wait3A_245 : memref<4096xi32, #tpu.memory_space<vmem_shared>>)
    %dma_wait3A_246 = arith.constant 896 : i32
    %dma_wait3A_247 = tpu.memref_slice %arg9[%dma_wait3A_246] : memref<4096xi32, #tpu.memory_space<vmem>> -> memref<128xi32, #tpu.memory_space<vmem>>
    %dma_wait3A_248 = arith.constant 896 : i32
    %dma_wait3A_249 = tpu.memref_slice %arg10[%dma_wait3A_248] : memref<4096xi32, #tpu.memory_space<vmem>> -> memref<128xi32, #tpu.memory_space<vmem>>
    %dma_wait3A_250 = arith.constant 0 : i32
    %dma_wait3A_251 = tpu.memref_slice %arg6[%dma_wait3A_250] : memref<4096xi32, #tpu.memory_space<vmem_shared>> -> memref<4096xi32, #tpu.memory_space<vmem_shared>>
    tpu.wait_indirect_dma semaphore(%arg15 : memref<!tpu.dma_semaphore, #tpu.memory_space<semaphore_mem>>) src(%dma_wait3A_247 : memref<128xi32, #tpu.memory_space<vmem>>) dst(%dma_wait3A_251 : memref<4096xi32, #tpu.memory_space<vmem_shared>>)
    %dma_wait3A_252 = arith.constant 1024 : i32
    %dma_wait3A_253 = tpu.memref_slice %arg9[%dma_wait3A_252] : memref<4096xi32, #tpu.memory_space<vmem>> -> memref<128xi32, #tpu.memory_space<vmem>>
    %dma_wait3A_254 = arith.constant 1024 : i32
    %dma_wait3A_255 = tpu.memref_slice %arg10[%dma_wait3A_254] : memref<4096xi32, #tpu.memory_space<vmem>> -> memref<128xi32, #tpu.memory_space<vmem>>
    %dma_wait3A_256 = arith.constant 0 : i32
    %dma_wait3A_257 = tpu.memref_slice %arg6[%dma_wait3A_256] : memref<4096xi32, #tpu.memory_space<vmem_shared>> -> memref<4096xi32, #tpu.memory_space<vmem_shared>>
    tpu.wait_indirect_dma semaphore(%arg15 : memref<!tpu.dma_semaphore, #tpu.memory_space<semaphore_mem>>) src(%dma_wait3A_253 : memref<128xi32, #tpu.memory_space<vmem>>) dst(%dma_wait3A_257 : memref<4096xi32, #tpu.memory_space<vmem_shared>>)
    %dma_wait3A_258 = arith.constant 1152 : i32
    %dma_wait3A_259 = tpu.memref_slice %arg9[%dma_wait3A_258] : memref<4096xi32, #tpu.memory_space<vmem>> -> memref<128xi32, #tpu.memory_space<vmem>>
    %dma_wait3A_260 = arith.constant 1152 : i32
    %dma_wait3A_261 = tpu.memref_slice %arg10[%dma_wait3A_260] : memref<4096xi32, #tpu.memory_space<vmem>> -> memref<128xi32, #tpu.memory_space<vmem>>
    %dma_wait3A_262 = arith.constant 0 : i32
    %dma_wait3A_263 = tpu.memref_slice %arg6[%dma_wait3A_262] : memref<4096xi32, #tpu.memory_space<vmem_shared>> -> memref<4096xi32, #tpu.memory_space<vmem_shared>>
    tpu.wait_indirect_dma semaphore(%arg15 : memref<!tpu.dma_semaphore, #tpu.memory_space<semaphore_mem>>) src(%dma_wait3A_259 : memref<128xi32, #tpu.memory_space<vmem>>) dst(%dma_wait3A_263 : memref<4096xi32, #tpu.memory_space<vmem_shared>>)
    %dma_wait3A_264 = arith.constant 1280 : i32
    %dma_wait3A_265 = tpu.memref_slice %arg9[%dma_wait3A_264] : memref<4096xi32, #tpu.memory_space<vmem>> -> memref<128xi32, #tpu.memory_space<vmem>>
    %dma_wait3A_266 = arith.constant 1280 : i32
    %dma_wait3A_267 = tpu.memref_slice %arg10[%dma_wait3A_266] : memref<4096xi32, #tpu.memory_space<vmem>> -> memref<128xi32, #tpu.memory_space<vmem>>
    %dma_wait3A_268 = arith.constant 0 : i32
    %dma_wait3A_269 = tpu.memref_slice %arg6[%dma_wait3A_268] : memref<4096xi32, #tpu.memory_space<vmem_shared>> -> memref<4096xi32, #tpu.memory_space<vmem_shared>>
    tpu.wait_indirect_dma semaphore(%arg15 : memref<!tpu.dma_semaphore, #tpu.memory_space<semaphore_mem>>) src(%dma_wait3A_265 : memref<128xi32, #tpu.memory_space<vmem>>) dst(%dma_wait3A_269 : memref<4096xi32, #tpu.memory_space<vmem_shared>>)
    %dma_wait3A_270 = arith.constant 1408 : i32
    %dma_wait3A_271 = tpu.memref_slice %arg9[%dma_wait3A_270] : memref<4096xi32, #tpu.memory_space<vmem>> -> memref<128xi32, #tpu.memory_space<vmem>>
    %dma_wait3A_272 = arith.constant 1408 : i32
    %dma_wait3A_273 = tpu.memref_slice %arg10[%dma_wait3A_272] : memref<4096xi32, #tpu.memory_space<vmem>> -> memref<128xi32, #tpu.memory_space<vmem>>
    %dma_wait3A_274 = arith.constant 0 : i32
    %dma_wait3A_275 = tpu.memref_slice %arg6[%dma_wait3A_274] : memref<4096xi32, #tpu.memory_space<vmem_shared>> -> memref<4096xi32, #tpu.memory_space<vmem_shared>>
    tpu.wait_indirect_dma semaphore(%arg15 : memref<!tpu.dma_semaphore, #tpu.memory_space<semaphore_mem>>) src(%dma_wait3A_271 : memref<128xi32, #tpu.memory_space<vmem>>) dst(%dma_wait3A_275 : memref<4096xi32, #tpu.memory_space<vmem_shared>>)
    %dma_wait3A_276 = arith.constant 1536 : i32
    %dma_wait3A_277 = tpu.memref_slice %arg9[%dma_wait3A_276] : memref<4096xi32, #tpu.memory_space<vmem>> -> memref<128xi32, #tpu.memory_space<vmem>>
    %dma_wait3A_278 = arith.constant 1536 : i32
    %dma_wait3A_279 = tpu.memref_slice %arg10[%dma_wait3A_278] : memref<4096xi32, #tpu.memory_space<vmem>> -> memref<128xi32, #tpu.memory_space<vmem>>
    %dma_wait3A_280 = arith.constant 0 : i32
    %dma_wait3A_281 = tpu.memref_slice %arg6[%dma_wait3A_280] : memref<4096xi32, #tpu.memory_space<vmem_shared>> -> memref<4096xi32, #tpu.memory_space<vmem_shared>>
    tpu.wait_indirect_dma semaphore(%arg15 : memref<!tpu.dma_semaphore, #tpu.memory_space<semaphore_mem>>) src(%dma_wait3A_277 : memref<128xi32, #tpu.memory_space<vmem>>) dst(%dma_wait3A_281 : memref<4096xi32, #tpu.memory_space<vmem_shared>>)
    %dma_wait3A_282 = arith.constant 1664 : i32
    %dma_wait3A_283 = tpu.memref_slice %arg9[%dma_wait3A_282] : memref<4096xi32, #tpu.memory_space<vmem>> -> memref<128xi32, #tpu.memory_space<vmem>>
    %dma_wait3A_284 = arith.constant 1664 : i32
    %dma_wait3A_285 = tpu.memref_slice %arg10[%dma_wait3A_284] : memref<4096xi32, #tpu.memory_space<vmem>> -> memref<128xi32, #tpu.memory_space<vmem>>
    %dma_wait3A_286 = arith.constant 0 : i32
    %dma_wait3A_287 = tpu.memref_slice %arg6[%dma_wait3A_286] : memref<4096xi32, #tpu.memory_space<vmem_shared>> -> memref<4096xi32, #tpu.memory_space<vmem_shared>>
    tpu.wait_indirect_dma semaphore(%arg15 : memref<!tpu.dma_semaphore, #tpu.memory_space<semaphore_mem>>) src(%dma_wait3A_283 : memref<128xi32, #tpu.memory_space<vmem>>) dst(%dma_wait3A_287 : memref<4096xi32, #tpu.memory_space<vmem_shared>>)
    %dma_wait3A_288 = arith.constant 1792 : i32
    %dma_wait3A_289 = tpu.memref_slice %arg9[%dma_wait3A_288] : memref<4096xi32, #tpu.memory_space<vmem>> -> memref<128xi32, #tpu.memory_space<vmem>>
    %dma_wait3A_290 = arith.constant 1792 : i32
    %dma_wait3A_291 = tpu.memref_slice %arg10[%dma_wait3A_290] : memref<4096xi32, #tpu.memory_space<vmem>> -> memref<128xi32, #tpu.memory_space<vmem>>
    %dma_wait3A_292 = arith.constant 0 : i32
    %dma_wait3A_293 = tpu.memref_slice %arg6[%dma_wait3A_292] : memref<4096xi32, #tpu.memory_space<vmem_shared>> -> memref<4096xi32, #tpu.memory_space<vmem_shared>>
    tpu.wait_indirect_dma semaphore(%arg15 : memref<!tpu.dma_semaphore, #tpu.memory_space<semaphore_mem>>) src(%dma_wait3A_289 : memref<128xi32, #tpu.memory_space<vmem>>) dst(%dma_wait3A_293 : memref<4096xi32, #tpu.memory_space<vmem_shared>>)
    %dma_wait3A_294 = arith.constant 1920 : i32
    %dma_wait3A_295 = tpu.memref_slice %arg9[%dma_wait3A_294] : memref<4096xi32, #tpu.memory_space<vmem>> -> memref<128xi32, #tpu.memory_space<vmem>>
    %dma_wait3A_296 = arith.constant 1920 : i32
    %dma_wait3A_297 = tpu.memref_slice %arg10[%dma_wait3A_296] : memref<4096xi32, #tpu.memory_space<vmem>> -> memref<128xi32, #tpu.memory_space<vmem>>
    %dma_wait3A_298 = arith.constant 0 : i32
    %dma_wait3A_299 = tpu.memref_slice %arg6[%dma_wait3A_298] : memref<4096xi32, #tpu.memory_space<vmem_shared>> -> memref<4096xi32, #tpu.memory_space<vmem_shared>>
    tpu.wait_indirect_dma semaphore(%arg15 : memref<!tpu.dma_semaphore, #tpu.memory_space<semaphore_mem>>) src(%dma_wait3A_295 : memref<128xi32, #tpu.memory_space<vmem>>) dst(%dma_wait3A_299 : memref<4096xi32, #tpu.memory_space<vmem_shared>>)
    %dma_wait3A_300 = arith.constant 2048 : i32
    %dma_wait3A_301 = tpu.memref_slice %arg9[%dma_wait3A_300] : memref<4096xi32, #tpu.memory_space<vmem>> -> memref<128xi32, #tpu.memory_space<vmem>>
    %dma_wait3A_302 = arith.constant 2048 : i32
    %dma_wait3A_303 = tpu.memref_slice %arg10[%dma_wait3A_302] : memref<4096xi32, #tpu.memory_space<vmem>> -> memref<128xi32, #tpu.memory_space<vmem>>
    %dma_wait3A_304 = arith.constant 0 : i32
    %dma_wait3A_305 = tpu.memref_slice %arg6[%dma_wait3A_304] : memref<4096xi32, #tpu.memory_space<vmem_shared>> -> memref<4096xi32, #tpu.memory_space<vmem_shared>>
    tpu.wait_indirect_dma semaphore(%arg15 : memref<!tpu.dma_semaphore, #tpu.memory_space<semaphore_mem>>) src(%dma_wait3A_301 : memref<128xi32, #tpu.memory_space<vmem>>) dst(%dma_wait3A_305 : memref<4096xi32, #tpu.memory_space<vmem_shared>>)
    %dma_wait3A_306 = arith.constant 2176 : i32
    %dma_wait3A_307 = tpu.memref_slice %arg9[%dma_wait3A_306] : memref<4096xi32, #tpu.memory_space<vmem>> -> memref<128xi32, #tpu.memory_space<vmem>>
    %dma_wait3A_308 = arith.constant 2176 : i32
    %dma_wait3A_309 = tpu.memref_slice %arg10[%dma_wait3A_308] : memref<4096xi32, #tpu.memory_space<vmem>> -> memref<128xi32, #tpu.memory_space<vmem>>
    %dma_wait3A_310 = arith.constant 0 : i32
    %dma_wait3A_311 = tpu.memref_slice %arg6[%dma_wait3A_310] : memref<4096xi32, #tpu.memory_space<vmem_shared>> -> memref<4096xi32, #tpu.memory_space<vmem_shared>>
    tpu.wait_indirect_dma semaphore(%arg15 : memref<!tpu.dma_semaphore, #tpu.memory_space<semaphore_mem>>) src(%dma_wait3A_307 : memref<128xi32, #tpu.memory_space<vmem>>) dst(%dma_wait3A_311 : memref<4096xi32, #tpu.memory_space<vmem_shared>>)
    %dma_wait3A_312 = arith.constant 2304 : i32
    %dma_wait3A_313 = tpu.memref_slice %arg9[%dma_wait3A_312] : memref<4096xi32, #tpu.memory_space<vmem>> -> memref<128xi32, #tpu.memory_space<vmem>>
    %dma_wait3A_314 = arith.constant 2304 : i32
    %dma_wait3A_315 = tpu.memref_slice %arg10[%dma_wait3A_314] : memref<4096xi32, #tpu.memory_space<vmem>> -> memref<128xi32, #tpu.memory_space<vmem>>
    %dma_wait3A_316 = arith.constant 0 : i32
    %dma_wait3A_317 = tpu.memref_slice %arg6[%dma_wait3A_316] : memref<4096xi32, #tpu.memory_space<vmem_shared>> -> memref<4096xi32, #tpu.memory_space<vmem_shared>>
    tpu.wait_indirect_dma semaphore(%arg15 : memref<!tpu.dma_semaphore, #tpu.memory_space<semaphore_mem>>) src(%dma_wait3A_313 : memref<128xi32, #tpu.memory_space<vmem>>) dst(%dma_wait3A_317 : memref<4096xi32, #tpu.memory_space<vmem_shared>>)
    %dma_wait3A_318 = arith.constant 2432 : i32
    %dma_wait3A_319 = tpu.memref_slice %arg9[%dma_wait3A_318] : memref<4096xi32, #tpu.memory_space<vmem>> -> memref<128xi32, #tpu.memory_space<vmem>>
    %dma_wait3A_320 = arith.constant 2432 : i32
    %dma_wait3A_321 = tpu.memref_slice %arg10[%dma_wait3A_320] : memref<4096xi32, #tpu.memory_space<vmem>> -> memref<128xi32, #tpu.memory_space<vmem>>
    %dma_wait3A_322 = arith.constant 0 : i32
    %dma_wait3A_323 = tpu.memref_slice %arg6[%dma_wait3A_322] : memref<4096xi32, #tpu.memory_space<vmem_shared>> -> memref<4096xi32, #tpu.memory_space<vmem_shared>>
    tpu.wait_indirect_dma semaphore(%arg15 : memref<!tpu.dma_semaphore, #tpu.memory_space<semaphore_mem>>) src(%dma_wait3A_319 : memref<128xi32, #tpu.memory_space<vmem>>) dst(%dma_wait3A_323 : memref<4096xi32, #tpu.memory_space<vmem_shared>>)
    %dma_wait3A_324 = arith.constant 2560 : i32
    %dma_wait3A_325 = tpu.memref_slice %arg9[%dma_wait3A_324] : memref<4096xi32, #tpu.memory_space<vmem>> -> memref<128xi32, #tpu.memory_space<vmem>>
    %dma_wait3A_326 = arith.constant 2560 : i32
    %dma_wait3A_327 = tpu.memref_slice %arg10[%dma_wait3A_326] : memref<4096xi32, #tpu.memory_space<vmem>> -> memref<128xi32, #tpu.memory_space<vmem>>
    %dma_wait3A_328 = arith.constant 0 : i32
    %dma_wait3A_329 = tpu.memref_slice %arg6[%dma_wait3A_328] : memref<4096xi32, #tpu.memory_space<vmem_shared>> -> memref<4096xi32, #tpu.memory_space<vmem_shared>>
    tpu.wait_indirect_dma semaphore(%arg15 : memref<!tpu.dma_semaphore, #tpu.memory_space<semaphore_mem>>) src(%dma_wait3A_325 : memref<128xi32, #tpu.memory_space<vmem>>) dst(%dma_wait3A_329 : memref<4096xi32, #tpu.memory_space<vmem_shared>>)
    %dma_wait3A_330 = arith.constant 2688 : i32
    %dma_wait3A_331 = tpu.memref_slice %arg9[%dma_wait3A_330] : memref<4096xi32, #tpu.memory_space<vmem>> -> memref<128xi32, #tpu.memory_space<vmem>>
    %dma_wait3A_332 = arith.constant 2688 : i32
    %dma_wait3A_333 = tpu.memref_slice %arg10[%dma_wait3A_332] : memref<4096xi32, #tpu.memory_space<vmem>> -> memref<128xi32, #tpu.memory_space<vmem>>
    %dma_wait3A_334 = arith.constant 0 : i32
    %dma_wait3A_335 = tpu.memref_slice %arg6[%dma_wait3A_334] : memref<4096xi32, #tpu.memory_space<vmem_shared>> -> memref<4096xi32, #tpu.memory_space<vmem_shared>>
    tpu.wait_indirect_dma semaphore(%arg15 : memref<!tpu.dma_semaphore, #tpu.memory_space<semaphore_mem>>) src(%dma_wait3A_331 : memref<128xi32, #tpu.memory_space<vmem>>) dst(%dma_wait3A_335 : memref<4096xi32, #tpu.memory_space<vmem_shared>>)
    %dma_wait3A_336 = arith.constant 2816 : i32
    %dma_wait3A_337 = tpu.memref_slice %arg9[%dma_wait3A_336] : memref<4096xi32, #tpu.memory_space<vmem>> -> memref<128xi32, #tpu.memory_space<vmem>>
    %dma_wait3A_338 = arith.constant 2816 : i32
    %dma_wait3A_339 = tpu.memref_slice %arg10[%dma_wait3A_338] : memref<4096xi32, #tpu.memory_space<vmem>> -> memref<128xi32, #tpu.memory_space<vmem>>
    %dma_wait3A_340 = arith.constant 0 : i32
    %dma_wait3A_341 = tpu.memref_slice %arg6[%dma_wait3A_340] : memref<4096xi32, #tpu.memory_space<vmem_shared>> -> memref<4096xi32, #tpu.memory_space<vmem_shared>>
    tpu.wait_indirect_dma semaphore(%arg15 : memref<!tpu.dma_semaphore, #tpu.memory_space<semaphore_mem>>) src(%dma_wait3A_337 : memref<128xi32, #tpu.memory_space<vmem>>) dst(%dma_wait3A_341 : memref<4096xi32, #tpu.memory_space<vmem_shared>>)
    %dma_wait3A_342 = arith.constant 2944 : i32
    %dma_wait3A_343 = tpu.memref_slice %arg9[%dma_wait3A_342] : memref<4096xi32, #tpu.memory_space<vmem>> -> memref<128xi32, #tpu.memory_space<vmem>>
    %dma_wait3A_344 = arith.constant 2944 : i32
    %dma_wait3A_345 = tpu.memref_slice %arg10[%dma_wait3A_344] : memref<4096xi32, #tpu.memory_space<vmem>> -> memref<128xi32, #tpu.memory_space<vmem>>
    %dma_wait3A_346 = arith.constant 0 : i32
    %dma_wait3A_347 = tpu.memref_slice %arg6[%dma_wait3A_346] : memref<4096xi32, #tpu.memory_space<vmem_shared>> -> memref<4096xi32, #tpu.memory_space<vmem_shared>>
    tpu.wait_indirect_dma semaphore(%arg15 : memref<!tpu.dma_semaphore, #tpu.memory_space<semaphore_mem>>) src(%dma_wait3A_343 : memref<128xi32, #tpu.memory_space<vmem>>) dst(%dma_wait3A_347 : memref<4096xi32, #tpu.memory_space<vmem_shared>>)
    %dma_wait3A_348 = arith.constant 3072 : i32
    %dma_wait3A_349 = tpu.memref_slice %arg9[%dma_wait3A_348] : memref<4096xi32, #tpu.memory_space<vmem>> -> memref<128xi32, #tpu.memory_space<vmem>>
    %dma_wait3A_350 = arith.constant 3072 : i32
    %dma_wait3A_351 = tpu.memref_slice %arg10[%dma_wait3A_350] : memref<4096xi32, #tpu.memory_space<vmem>> -> memref<128xi32, #tpu.memory_space<vmem>>
    %dma_wait3A_352 = arith.constant 0 : i32
    %dma_wait3A_353 = tpu.memref_slice %arg6[%dma_wait3A_352] : memref<4096xi32, #tpu.memory_space<vmem_shared>> -> memref<4096xi32, #tpu.memory_space<vmem_shared>>
    tpu.wait_indirect_dma semaphore(%arg15 : memref<!tpu.dma_semaphore, #tpu.memory_space<semaphore_mem>>) src(%dma_wait3A_349 : memref<128xi32, #tpu.memory_space<vmem>>) dst(%dma_wait3A_353 : memref<4096xi32, #tpu.memory_space<vmem_shared>>)
    %dma_wait3A_354 = arith.constant 3200 : i32
    %dma_wait3A_355 = tpu.memref_slice %arg9[%dma_wait3A_354] : memref<4096xi32, #tpu.memory_space<vmem>> -> memref<128xi32, #tpu.memory_space<vmem>>
    %dma_wait3A_356 = arith.constant 3200 : i32
    %dma_wait3A_357 = tpu.memref_slice %arg10[%dma_wait3A_356] : memref<4096xi32, #tpu.memory_space<vmem>> -> memref<128xi32, #tpu.memory_space<vmem>>
    %dma_wait3A_358 = arith.constant 0 : i32
    %dma_wait3A_359 = tpu.memref_slice %arg6[%dma_wait3A_358] : memref<4096xi32, #tpu.memory_space<vmem_shared>> -> memref<4096xi32, #tpu.memory_space<vmem_shared>>
    tpu.wait_indirect_dma semaphore(%arg15 : memref<!tpu.dma_semaphore, #tpu.memory_space<semaphore_mem>>) src(%dma_wait3A_355 : memref<128xi32, #tpu.memory_space<vmem>>) dst(%dma_wait3A_359 : memref<4096xi32, #tpu.memory_space<vmem_shared>>)
    %dma_wait3A_360 = arith.constant 3328 : i32
    %dma_wait3A_361 = tpu.memref_slice %arg9[%dma_wait3A_360] : memref<4096xi32, #tpu.memory_space<vmem>> -> memref<128xi32, #tpu.memory_space<vmem>>
    %dma_wait3A_362 = arith.constant 3328 : i32
    %dma_wait3A_363 = tpu.memref_slice %arg10[%dma_wait3A_362] : memref<4096xi32, #tpu.memory_space<vmem>> -> memref<128xi32, #tpu.memory_space<vmem>>
    %dma_wait3A_364 = arith.constant 0 : i32
    %dma_wait3A_365 = tpu.memref_slice %arg6[%dma_wait3A_364] : memref<4096xi32, #tpu.memory_space<vmem_shared>> -> memref<4096xi32, #tpu.memory_space<vmem_shared>>
    tpu.wait_indirect_dma semaphore(%arg15 : memref<!tpu.dma_semaphore, #tpu.memory_space<semaphore_mem>>) src(%dma_wait3A_361 : memref<128xi32, #tpu.memory_space<vmem>>) dst(%dma_wait3A_365 : memref<4096xi32, #tpu.memory_space<vmem_shared>>)
    %dma_wait3A_366 = arith.constant 3456 : i32
    %dma_wait3A_367 = tpu.memref_slice %arg9[%dma_wait3A_366] : memref<4096xi32, #tpu.memory_space<vmem>> -> memref<128xi32, #tpu.memory_space<vmem>>
    %dma_wait3A_368 = arith.constant 3456 : i32
    %dma_wait3A_369 = tpu.memref_slice %arg10[%dma_wait3A_368] : memref<4096xi32, #tpu.memory_space<vmem>> -> memref<128xi32, #tpu.memory_space<vmem>>
    %dma_wait3A_370 = arith.constant 0 : i32
    %dma_wait3A_371 = tpu.memref_slice %arg6[%dma_wait3A_370] : memref<4096xi32, #tpu.memory_space<vmem_shared>> -> memref<4096xi32, #tpu.memory_space<vmem_shared>>
    tpu.wait_indirect_dma semaphore(%arg15 : memref<!tpu.dma_semaphore, #tpu.memory_space<semaphore_mem>>) src(%dma_wait3A_367 : memref<128xi32, #tpu.memory_space<vmem>>) dst(%dma_wait3A_371 : memref<4096xi32, #tpu.memory_space<vmem_shared>>)
    %dma_wait3A_372 = arith.constant 3584 : i32
    %dma_wait3A_373 = tpu.memref_slice %arg9[%dma_wait3A_372] : memref<4096xi32, #tpu.memory_space<vmem>> -> memref<128xi32, #tpu.memory_space<vmem>>
    %dma_wait3A_374 = arith.constant 3584 : i32
    %dma_wait3A_375 = tpu.memref_slice %arg10[%dma_wait3A_374] : memref<4096xi32, #tpu.memory_space<vmem>> -> memref<128xi32, #tpu.memory_space<vmem>>
    %dma_wait3A_376 = arith.constant 0 : i32
    %dma_wait3A_377 = tpu.memref_slice %arg6[%dma_wait3A_376] : memref<4096xi32, #tpu.memory_space<vmem_shared>> -> memref<4096xi32, #tpu.memory_space<vmem_shared>>
    tpu.wait_indirect_dma semaphore(%arg15 : memref<!tpu.dma_semaphore, #tpu.memory_space<semaphore_mem>>) src(%dma_wait3A_373 : memref<128xi32, #tpu.memory_space<vmem>>) dst(%dma_wait3A_377 : memref<4096xi32, #tpu.memory_space<vmem_shared>>)
    %dma_wait3A_378 = arith.constant 3712 : i32
    %dma_wait3A_379 = tpu.memref_slice %arg9[%dma_wait3A_378] : memref<4096xi32, #tpu.memory_space<vmem>> -> memref<128xi32, #tpu.memory_space<vmem>>
    %dma_wait3A_380 = arith.constant 3712 : i32
    %dma_wait3A_381 = tpu.memref_slice %arg10[%dma_wait3A_380] : memref<4096xi32, #tpu.memory_space<vmem>> -> memref<128xi32, #tpu.memory_space<vmem>>
    %dma_wait3A_382 = arith.constant 0 : i32
    %dma_wait3A_383 = tpu.memref_slice %arg6[%dma_wait3A_382] : memref<4096xi32, #tpu.memory_space<vmem_shared>> -> memref<4096xi32, #tpu.memory_space<vmem_shared>>
    tpu.wait_indirect_dma semaphore(%arg15 : memref<!tpu.dma_semaphore, #tpu.memory_space<semaphore_mem>>) src(%dma_wait3A_379 : memref<128xi32, #tpu.memory_space<vmem>>) dst(%dma_wait3A_383 : memref<4096xi32, #tpu.memory_space<vmem_shared>>)
    %dma_wait3A_384 = arith.constant 3840 : i32
    %dma_wait3A_385 = tpu.memref_slice %arg9[%dma_wait3A_384] : memref<4096xi32, #tpu.memory_space<vmem>> -> memref<128xi32, #tpu.memory_space<vmem>>
    %dma_wait3A_386 = arith.constant 3840 : i32
    %dma_wait3A_387 = tpu.memref_slice %arg10[%dma_wait3A_386] : memref<4096xi32, #tpu.memory_space<vmem>> -> memref<128xi32, #tpu.memory_space<vmem>>
    %dma_wait3A_388 = arith.constant 0 : i32
    %dma_wait3A_389 = tpu.memref_slice %arg6[%dma_wait3A_388] : memref<4096xi32, #tpu.memory_space<vmem_shared>> -> memref<4096xi32, #tpu.memory_space<vmem_shared>>
    tpu.wait_indirect_dma semaphore(%arg15 : memref<!tpu.dma_semaphore, #tpu.memory_space<semaphore_mem>>) src(%dma_wait3A_385 : memref<128xi32, #tpu.memory_space<vmem>>) dst(%dma_wait3A_389 : memref<4096xi32, #tpu.memory_space<vmem_shared>>)
    %dma_wait3A_390 = arith.constant 3968 : i32
    %dma_wait3A_391 = tpu.memref_slice %arg9[%dma_wait3A_390] : memref<4096xi32, #tpu.memory_space<vmem>> -> memref<128xi32, #tpu.memory_space<vmem>>
    %dma_wait3A_392 = arith.constant 3968 : i32
    %dma_wait3A_393 = tpu.memref_slice %arg10[%dma_wait3A_392] : memref<4096xi32, #tpu.memory_space<vmem>> -> memref<128xi32, #tpu.memory_space<vmem>>
    %dma_wait3A_394 = arith.constant 0 : i32
    %dma_wait3A_395 = tpu.memref_slice %arg6[%dma_wait3A_394] : memref<4096xi32, #tpu.memory_space<vmem_shared>> -> memref<4096xi32, #tpu.memory_space<vmem_shared>>
    tpu.wait_indirect_dma semaphore(%arg15 : memref<!tpu.dma_semaphore, #tpu.memory_space<semaphore_mem>>) src(%dma_wait3A_391 : memref<128xi32, #tpu.memory_space<vmem>>) dst(%dma_wait3A_395 : memref<4096xi32, #tpu.memory_space<vmem_shared>>)
    %barrier3A_396 = arith.constant 0 : index
    tpu.barrier barrier_id(%barrier3A_396)
    "tpu.region"() ({
      %run_scoped3A = tpu.sem_alloc : memref<!tpu.dma_semaphore, #tpu.memory_space<semaphore_mem>>
      tpu.enqueue_dma source(%arg6 : memref<4096xi32, #tpu.memory_space<vmem_shared>>) target(%arg11 : memref<4096xi32, #tpu.memory_space<vmem>>) target_semaphore(%run_scoped3A : memref<!tpu.dma_semaphore, #tpu.memory_space<semaphore_mem>>)
      tpu.wait_dma2 semaphore(%run_scoped3A : memref<!tpu.dma_semaphore, #tpu.memory_space<semaphore_mem>>) src(%arg6 : memref<4096xi32, #tpu.memory_space<vmem_shared>>) dst(%arg11 : memref<4096xi32, #tpu.memory_space<vmem>>)
      tpu.yield
    }) : () -> ()
    %mul3A_397 = arith.constant 1000000 : i32
    %mul3A_398 = arith.muli %arg1, %mul3A_397 : i32
    %add3A = arith.addi %mul3A_398, %arg0 : i32
    %scan3A_399 = arith.constant 0 : i32
    %scan3A_400 = arith.constant 0 : i32
    %scan3A_401 = arith.constant 256 : i32
    %scan3A_402 = arith.addi %scan3A_400, %scan3A_401 : i32
    %scan3A_403 = arith.constant 1 : i32
    scf.for %scan3A_789 = %scan3A_400 to %scan3A_402 step %scan3A_403  : i32 {
      %mul3A_790 = arith.constant 16 : i32
      %mul3A_791 = arith.muli %scan3A_789, %mul3A_790 : i32
      %get3A = arith.index_cast %mul3A_791 : i32 to index
      %get3A_792 = tpu.vector_load %arg7[%get3A] {strides = array<i32>} : memref<4096xi32, #tpu.memory_space<vmem>>, vector<16xi32>,
      %mul3A_793 = arith.constant 16 : i32
      %mul3A_794 = arith.muli %scan3A_789, %mul3A_793 : i32
      %get3A_795 = arith.index_cast %mul3A_794 : i32 to index
      %get3A_796 = tpu.vector_load %arg11[%get3A_795] {strides = array<i32>} : memref<4096xi32, #tpu.memory_space<vmem>>, vector<16xi32>,
      %gather3A = tpu.vector_load_idx %arg12[%get3A_796] : memref<4096xf32, #tpu.memory_space<vmem>>[vector<16xi32>], vector<16xf32>,
      %mul3A_797 = arith.constant 16 : i32
      %mul3A_798 = arith.muli %scan3A_789, %mul3A_797 : i32
      %swap3A = arith.index_cast %mul3A_798 : i32 to index
      %swap3A_799 = tpu.vector_load %arg13[%swap3A] {strides = array<i32>} : memref<4096xf32, #tpu.memory_space<vmem>>, vector<16xf32>,
      tpu.vector_store %arg13[%swap3A], %gather3A {strides = array<i32>} : memref<4096xf32, #tpu.memory_space<vmem>>, vector<16xf32>,
      %mul3A_800 = arith.constant 2 : i32
      %mul3A_801 = vector.broadcast %mul3A_800 : i32 to vector<16xi32>
      %mul3A_802 = arith.muli %get3A_792, %mul3A_801 : vector<16xi32>
      %add3A_803 = vector.broadcast %add3A : i32 to vector<16xi32>
      %add3A_804 = arith.addi %add3A_803, %mul3A_802 : vector<16xi32>
      %mul3A_805 = arith.constant 16 : i32
      %mul3A_806 = arith.muli %scan3A_789, %mul3A_805 : i32
      %swap3A_807 = arith.index_cast %mul3A_806 : i32 to index
      %swap3A_808 = tpu.vector_load %arg14[%swap3A_807] {strides = array<i32>} : memref<4096xi32, #tpu.memory_space<vmem>>, vector<16xi32>,
      tpu.vector_store %arg14[%swap3A_807], %add3A_804 {strides = array<i32>} : memref<4096xi32, #tpu.memory_space<vmem>>, vector<16xi32>,
    }
    %scan3A_404 = arith.constant 256 : i32
    %dma_start3A_405 = arith.constant 0 : i32
    %dma_start3A_406 = tpu.memref_slice %arg13[%dma_start3A_405] : memref<4096xf32, #tpu.memory_space<vmem>> -> memref<128xf32, #tpu.memory_space<vmem>>
    %dma_start3A_407 = arith.constant 0 : i32
    %dma_start3A_408 = tpu.memref_slice %arg14[%dma_start3A_407] : memref<4096xi32, #tpu.memory_space<vmem>> -> memref<128xi32, #tpu.memory_space<vmem>>
    %dma_start3A_409 = arith.constant 0 : i32
    %dma_start3A_410 = tpu.memref_slice %arg4[%dma_start3A_409] : memref<16000000xf32, #tpu.memory_space<hbm>> -> memref<16000000xf32, #tpu.memory_space<hbm>>
    tpu.enqueue_indirect_dma source(%dma_start3A_406 : memref<128xf32, #tpu.memory_space<vmem>>) target(%dma_start3A_410 : memref<16000000xf32, #tpu.memory_space<hbm>>) offsets(%dma_start3A_408 : memref<128xi32, #tpu.memory_space<vmem>>) semaphore(%arg16 : memref<!tpu.dma_semaphore, #tpu.memory_space<semaphore_mem>>)
    %dma_start3A_411 = arith.constant 128 : i32
    %dma_start3A_412 = tpu.memref_slice %arg13[%dma_start3A_411] : memref<4096xf32, #tpu.memory_space<vmem>> -> memref<128xf32, #tpu.memory_space<vmem>>
    %dma_start3A_413 = arith.constant 128 : i32
    %dma_start3A_414 = tpu.memref_slice %arg14[%dma_start3A_413] : memref<4096xi32, #tpu.memory_space<vmem>> -> memref<128xi32, #tpu.memory_space<vmem>>
    %dma_start3A_415 = arith.constant 0 : i32
    %dma_start3A_416 = tpu.memref_slice %arg4[%dma_start3A_415] : memref<16000000xf32, #tpu.memory_space<hbm>> -> memref<16000000xf32, #tpu.memory_space<hbm>>
    tpu.enqueue_indirect_dma source(%dma_start3A_412 : memref<128xf32, #tpu.memory_space<vmem>>) target(%dma_start3A_416 : memref<16000000xf32, #tpu.memory_space<hbm>>) offsets(%dma_start3A_414 : memref<128xi32, #tpu.memory_space<vmem>>) semaphore(%arg17 : memref<!tpu.dma_semaphore, #tpu.memory_space<semaphore_mem>>)
    %dma_start3A_417 = arith.constant 256 : i32
    %dma_start3A_418 = tpu.memref_slice %arg13[%dma_start3A_417] : memref<4096xf32, #tpu.memory_space<vmem>> -> memref<128xf32, #tpu.memory_space<vmem>>
    %dma_start3A_419 = arith.constant 256 : i32
    %dma_start3A_420 = tpu.memref_slice %arg14[%dma_start3A_419] : memref<4096xi32, #tpu.memory_space<vmem>> -> memref<128xi32, #tpu.memory_space<vmem>>
    %dma_start3A_421 = arith.constant 0 : i32
    %dma_start3A_422 = tpu.memref_slice %arg4[%dma_start3A_421] : memref<16000000xf32, #tpu.memory_space<hbm>> -> memref<16000000xf32, #tpu.memory_space<hbm>>
    tpu.enqueue_indirect_dma source(%dma_start3A_418 : memref<128xf32, #tpu.memory_space<vmem>>) target(%dma_start3A_422 : memref<16000000xf32, #tpu.memory_space<hbm>>) offsets(%dma_start3A_420 : memref<128xi32, #tpu.memory_space<vmem>>) semaphore(%arg18 : memref<!tpu.dma_semaphore, #tpu.memory_space<semaphore_mem>>)
    %dma_start3A_423 = arith.constant 384 : i32
    %dma_start3A_424 = tpu.memref_slice %arg13[%dma_start3A_423] : memref<4096xf32, #tpu.memory_space<vmem>> -> memref<128xf32, #tpu.memory_space<vmem>>
    %dma_start3A_425 = arith.constant 384 : i32
    %dma_start3A_426 = tpu.memref_slice %arg14[%dma_start3A_425] : memref<4096xi32, #tpu.memory_space<vmem>> -> memref<128xi32, #tpu.memory_space<vmem>>
    %dma_start3A_427 = arith.constant 0 : i32
    %dma_start3A_428 = tpu.memref_slice %arg4[%dma_start3A_427] : memref<16000000xf32, #tpu.memory_space<hbm>> -> memref<16000000xf32, #tpu.memory_space<hbm>>
    tpu.enqueue_indirect_dma source(%dma_start3A_424 : memref<128xf32, #tpu.memory_space<vmem>>) target(%dma_start3A_428 : memref<16000000xf32, #tpu.memory_space<hbm>>) offsets(%dma_start3A_426 : memref<128xi32, #tpu.memory_space<vmem>>) semaphore(%arg19 : memref<!tpu.dma_semaphore, #tpu.memory_space<semaphore_mem>>)
    %dma_start3A_429 = arith.constant 512 : i32
    %dma_start3A_430 = tpu.memref_slice %arg13[%dma_start3A_429] : memref<4096xf32, #tpu.memory_space<vmem>> -> memref<128xf32, #tpu.memory_space<vmem>>
    %dma_start3A_431 = arith.constant 512 : i32
    %dma_start3A_432 = tpu.memref_slice %arg14[%dma_start3A_431] : memref<4096xi32, #tpu.memory_space<vmem>> -> memref<128xi32, #tpu.memory_space<vmem>>
    %dma_start3A_433 = arith.constant 0 : i32
    %dma_start3A_434 = tpu.memref_slice %arg4[%dma_start3A_433] : memref<16000000xf32, #tpu.memory_space<hbm>> -> memref<16000000xf32, #tpu.memory_space<hbm>>
    tpu.enqueue_indirect_dma source(%dma_start3A_430 : memref<128xf32, #tpu.memory_space<vmem>>) target(%dma_start3A_434 : memref<16000000xf32, #tpu.memory_space<hbm>>) offsets(%dma_start3A_432 : memref<128xi32, #tpu.memory_space<vmem>>) semaphore(%arg20 : memref<!tpu.dma_semaphore, #tpu.memory_space<semaphore_mem>>)
    %dma_start3A_435 = arith.constant 640 : i32
    %dma_start3A_436 = tpu.memref_slice %arg13[%dma_start3A_435] : memref<4096xf32, #tpu.memory_space<vmem>> -> memref<128xf32, #tpu.memory_space<vmem>>
    %dma_start3A_437 = arith.constant 640 : i32
    %dma_start3A_438 = tpu.memref_slice %arg14[%dma_start3A_437] : memref<4096xi32, #tpu.memory_space<vmem>> -> memref<128xi32, #tpu.memory_space<vmem>>
    %dma_start3A_439 = arith.constant 0 : i32
    %dma_start3A_440 = tpu.memref_slice %arg4[%dma_start3A_439] : memref<16000000xf32, #tpu.memory_space<hbm>> -> memref<16000000xf32, #tpu.memory_space<hbm>>
    tpu.enqueue_indirect_dma source(%dma_start3A_436 : memref<128xf32, #tpu.memory_space<vmem>>) target(%dma_start3A_440 : memref<16000000xf32, #tpu.memory_space<hbm>>) offsets(%dma_start3A_438 : memref<128xi32, #tpu.memory_space<vmem>>) semaphore(%arg21 : memref<!tpu.dma_semaphore, #tpu.memory_space<semaphore_mem>>)
    %dma_start3A_441 = arith.constant 768 : i32
    %dma_start3A_442 = tpu.memref_slice %arg13[%dma_start3A_441] : memref<4096xf32, #tpu.memory_space<vmem>> -> memref<128xf32, #tpu.memory_space<vmem>>
    %dma_start3A_443 = arith.constant 768 : i32
    %dma_start3A_444 = tpu.memref_slice %arg14[%dma_start3A_443] : memref<4096xi32, #tpu.memory_space<vmem>> -> memref<128xi32, #tpu.memory_space<vmem>>
    %dma_start3A_445 = arith.constant 0 : i32
    %dma_start3A_446 = tpu.memref_slice %arg4[%dma_start3A_445] : memref<16000000xf32, #tpu.memory_space<hbm>> -> memref<16000000xf32, #tpu.memory_space<hbm>>
    tpu.enqueue_indirect_dma source(%dma_start3A_442 : memref<128xf32, #tpu.memory_space<vmem>>) target(%dma_start3A_446 : memref<16000000xf32, #tpu.memory_space<hbm>>) offsets(%dma_start3A_444 : memref<128xi32, #tpu.memory_space<vmem>>) semaphore(%arg22 : memref<!tpu.dma_semaphore, #tpu.memory_space<semaphore_mem>>)
    %dma_start3A_447 = arith.constant 896 : i32
    %dma_start3A_448 = tpu.memref_slice %arg13[%dma_start3A_447] : memref<4096xf32, #tpu.memory_space<vmem>> -> memref<128xf32, #tpu.memory_space<vmem>>
    %dma_start3A_449 = arith.constant 896 : i32
    %dma_start3A_450 = tpu.memref_slice %arg14[%dma_start3A_449] : memref<4096xi32, #tpu.memory_space<vmem>> -> memref<128xi32, #tpu.memory_space<vmem>>
    %dma_start3A_451 = arith.constant 0 : i32
    %dma_start3A_452 = tpu.memref_slice %arg4[%dma_start3A_451] : memref<16000000xf32, #tpu.memory_space<hbm>> -> memref<16000000xf32, #tpu.memory_space<hbm>>
    tpu.enqueue_indirect_dma source(%dma_start3A_448 : memref<128xf32, #tpu.memory_space<vmem>>) target(%dma_start3A_452 : memref<16000000xf32, #tpu.memory_space<hbm>>) offsets(%dma_start3A_450 : memref<128xi32, #tpu.memory_space<vmem>>) semaphore(%arg23 : memref<!tpu.dma_semaphore, #tpu.memory_space<semaphore_mem>>)
    %dma_start3A_453 = arith.constant 1024 : i32
    %dma_start3A_454 = tpu.memref_slice %arg13[%dma_start3A_453] : memref<4096xf32, #tpu.memory_space<vmem>> -> memref<128xf32, #tpu.memory_space<vmem>>
    %dma_start3A_455 = arith.constant 1024 : i32
    %dma_start3A_456 = tpu.memref_slice %arg14[%dma_start3A_455] : memref<4096xi32, #tpu.memory_space<vmem>> -> memref<128xi32, #tpu.memory_space<vmem>>
    %dma_start3A_457 = arith.constant 0 : i32
    %dma_start3A_458 = tpu.memref_slice %arg4[%dma_start3A_457] : memref<16000000xf32, #tpu.memory_space<hbm>> -> memref<16000000xf32, #tpu.memory_space<hbm>>
    tpu.enqueue_indirect_dma source(%dma_start3A_454 : memref<128xf32, #tpu.memory_space<vmem>>) target(%dma_start3A_458 : memref<16000000xf32, #tpu.memory_space<hbm>>) offsets(%dma_start3A_456 : memref<128xi32, #tpu.memory_space<vmem>>) semaphore(%arg16 : memref<!tpu.dma_semaphore, #tpu.memory_space<semaphore_mem>>)
    %dma_start3A_459 = arith.constant 1152 : i32
    %dma_start3A_460 = tpu.memref_slice %arg13[%dma_start3A_459] : memref<4096xf32, #tpu.memory_space<vmem>> -> memref<128xf32, #tpu.memory_space<vmem>>
    %dma_start3A_461 = arith.constant 1152 : i32
    %dma_start3A_462 = tpu.memref_slice %arg14[%dma_start3A_461] : memref<4096xi32, #tpu.memory_space<vmem>> -> memref<128xi32, #tpu.memory_space<vmem>>
    %dma_start3A_463 = arith.constant 0 : i32
    %dma_start3A_464 = tpu.memref_slice %arg4[%dma_start3A_463] : memref<16000000xf32, #tpu.memory_space<hbm>> -> memref<16000000xf32, #tpu.memory_space<hbm>>
    tpu.enqueue_indirect_dma source(%dma_start3A_460 : memref<128xf32, #tpu.memory_space<vmem>>) target(%dma_start3A_464 : memref<16000000xf32, #tpu.memory_space<hbm>>) offsets(%dma_start3A_462 : memref<128xi32, #tpu.memory_space<vmem>>) semaphore(%arg17 : memref<!tpu.dma_semaphore, #tpu.memory_space<semaphore_mem>>)
    %dma_start3A_465 = arith.constant 1280 : i32
    %dma_start3A_466 = tpu.memref_slice %arg13[%dma_start3A_465] : memref<4096xf32, #tpu.memory_space<vmem>> -> memref<128xf32, #tpu.memory_space<vmem>>
    %dma_start3A_467 = arith.constant 1280 : i32
    %dma_start3A_468 = tpu.memref_slice %arg14[%dma_start3A_467] : memref<4096xi32, #tpu.memory_space<vmem>> -> memref<128xi32, #tpu.memory_space<vmem>>
    %dma_start3A_469 = arith.constant 0 : i32
    %dma_start3A_470 = tpu.memref_slice %arg4[%dma_start3A_469] : memref<16000000xf32, #tpu.memory_space<hbm>> -> memref<16000000xf32, #tpu.memory_space<hbm>>
    tpu.enqueue_indirect_dma source(%dma_start3A_466 : memref<128xf32, #tpu.memory_space<vmem>>) target(%dma_start3A_470 : memref<16000000xf32, #tpu.memory_space<hbm>>) offsets(%dma_start3A_468 : memref<128xi32, #tpu.memory_space<vmem>>) semaphore(%arg18 : memref<!tpu.dma_semaphore, #tpu.memory_space<semaphore_mem>>)
    %dma_start3A_471 = arith.constant 1408 : i32
    %dma_start3A_472 = tpu.memref_slice %arg13[%dma_start3A_471] : memref<4096xf32, #tpu.memory_space<vmem>> -> memref<128xf32, #tpu.memory_space<vmem>>
    %dma_start3A_473 = arith.constant 1408 : i32
    %dma_start3A_474 = tpu.memref_slice %arg14[%dma_start3A_473] : memref<4096xi32, #tpu.memory_space<vmem>> -> memref<128xi32, #tpu.memory_space<vmem>>
    %dma_start3A_475 = arith.constant 0 : i32
    %dma_start3A_476 = tpu.memref_slice %arg4[%dma_start3A_475] : memref<16000000xf32, #tpu.memory_space<hbm>> -> memref<16000000xf32, #tpu.memory_space<hbm>>
    tpu.enqueue_indirect_dma source(%dma_start3A_472 : memref<128xf32, #tpu.memory_space<vmem>>) target(%dma_start3A_476 : memref<16000000xf32, #tpu.memory_space<hbm>>) offsets(%dma_start3A_474 : memref<128xi32, #tpu.memory_space<vmem>>) semaphore(%arg19 : memref<!tpu.dma_semaphore, #tpu.memory_space<semaphore_mem>>)
    %dma_start3A_477 = arith.constant 1536 : i32
    %dma_start3A_478 = tpu.memref_slice %arg13[%dma_start3A_477] : memref<4096xf32, #tpu.memory_space<vmem>> -> memref<128xf32, #tpu.memory_space<vmem>>
    %dma_start3A_479 = arith.constant 1536 : i32
    %dma_start3A_480 = tpu.memref_slice %arg14[%dma_start3A_479] : memref<4096xi32, #tpu.memory_space<vmem>> -> memref<128xi32, #tpu.memory_space<vmem>>
    %dma_start3A_481 = arith.constant 0 : i32
    %dma_start3A_482 = tpu.memref_slice %arg4[%dma_start3A_481] : memref<16000000xf32, #tpu.memory_space<hbm>> -> memref<16000000xf32, #tpu.memory_space<hbm>>
    tpu.enqueue_indirect_dma source(%dma_start3A_478 : memref<128xf32, #tpu.memory_space<vmem>>) target(%dma_start3A_482 : memref<16000000xf32, #tpu.memory_space<hbm>>) offsets(%dma_start3A_480 : memref<128xi32, #tpu.memory_space<vmem>>) semaphore(%arg20 : memref<!tpu.dma_semaphore, #tpu.memory_space<semaphore_mem>>)
    %dma_start3A_483 = arith.constant 1664 : i32
    %dma_start3A_484 = tpu.memref_slice %arg13[%dma_start3A_483] : memref<4096xf32, #tpu.memory_space<vmem>> -> memref<128xf32, #tpu.memory_space<vmem>>
    %dma_start3A_485 = arith.constant 1664 : i32
    %dma_start3A_486 = tpu.memref_slice %arg14[%dma_start3A_485] : memref<4096xi32, #tpu.memory_space<vmem>> -> memref<128xi32, #tpu.memory_space<vmem>>
    %dma_start3A_487 = arith.constant 0 : i32
    %dma_start3A_488 = tpu.memref_slice %arg4[%dma_start3A_487] : memref<16000000xf32, #tpu.memory_space<hbm>> -> memref<16000000xf32, #tpu.memory_space<hbm>>
    tpu.enqueue_indirect_dma source(%dma_start3A_484 : memref<128xf32, #tpu.memory_space<vmem>>) target(%dma_start3A_488 : memref<16000000xf32, #tpu.memory_space<hbm>>) offsets(%dma_start3A_486 : memref<128xi32, #tpu.memory_space<vmem>>) semaphore(%arg21 : memref<!tpu.dma_semaphore, #tpu.memory_space<semaphore_mem>>)
    %dma_start3A_489 = arith.constant 1792 : i32
    %dma_start3A_490 = tpu.memref_slice %arg13[%dma_start3A_489] : memref<4096xf32, #tpu.memory_space<vmem>> -> memref<128xf32, #tpu.memory_space<vmem>>
    %dma_start3A_491 = arith.constant 1792 : i32
    %dma_start3A_492 = tpu.memref_slice %arg14[%dma_start3A_491] : memref<4096xi32, #tpu.memory_space<vmem>> -> memref<128xi32, #tpu.memory_space<vmem>>
    %dma_start3A_493 = arith.constant 0 : i32
    %dma_start3A_494 = tpu.memref_slice %arg4[%dma_start3A_493] : memref<16000000xf32, #tpu.memory_space<hbm>> -> memref<16000000xf32, #tpu.memory_space<hbm>>
    tpu.enqueue_indirect_dma source(%dma_start3A_490 : memref<128xf32, #tpu.memory_space<vmem>>) target(%dma_start3A_494 : memref<16000000xf32, #tpu.memory_space<hbm>>) offsets(%dma_start3A_492 : memref<128xi32, #tpu.memory_space<vmem>>) semaphore(%arg22 : memref<!tpu.dma_semaphore, #tpu.memory_space<semaphore_mem>>)
    %dma_start3A_495 = arith.constant 1920 : i32
    %dma_start3A_496 = tpu.memref_slice %arg13[%dma_start3A_495] : memref<4096xf32, #tpu.memory_space<vmem>> -> memref<128xf32, #tpu.memory_space<vmem>>
    %dma_start3A_497 = arith.constant 1920 : i32
    %dma_start3A_498 = tpu.memref_slice %arg14[%dma_start3A_497] : memref<4096xi32, #tpu.memory_space<vmem>> -> memref<128xi32, #tpu.memory_space<vmem>>
    %dma_start3A_499 = arith.constant 0 : i32
    %dma_start3A_500 = tpu.memref_slice %arg4[%dma_start3A_499] : memref<16000000xf32, #tpu.memory_space<hbm>> -> memref<16000000xf32, #tpu.memory_space<hbm>>
    tpu.enqueue_indirect_dma source(%dma_start3A_496 : memref<128xf32, #tpu.memory_space<vmem>>) target(%dma_start3A_500 : memref<16000000xf32, #tpu.memory_space<hbm>>) offsets(%dma_start3A_498 : memref<128xi32, #tpu.memory_space<vmem>>) semaphore(%arg23 : memref<!tpu.dma_semaphore, #tpu.memory_space<semaphore_mem>>)
    %dma_start3A_501 = arith.constant 2048 : i32
    %dma_start3A_502 = tpu.memref_slice %arg13[%dma_start3A_501] : memref<4096xf32, #tpu.memory_space<vmem>> -> memref<128xf32, #tpu.memory_space<vmem>>
    %dma_start3A_503 = arith.constant 2048 : i32
    %dma_start3A_504 = tpu.memref_slice %arg14[%dma_start3A_503] : memref<4096xi32, #tpu.memory_space<vmem>> -> memref<128xi32, #tpu.memory_space<vmem>>
    %dma_start3A_505 = arith.constant 0 : i32
    %dma_start3A_506 = tpu.memref_slice %arg4[%dma_start3A_505] : memref<16000000xf32, #tpu.memory_space<hbm>> -> memref<16000000xf32, #tpu.memory_space<hbm>>
    tpu.enqueue_indirect_dma source(%dma_start3A_502 : memref<128xf32, #tpu.memory_space<vmem>>) target(%dma_start3A_506 : memref<16000000xf32, #tpu.memory_space<hbm>>) offsets(%dma_start3A_504 : memref<128xi32, #tpu.memory_space<vmem>>) semaphore(%arg16 : memref<!tpu.dma_semaphore, #tpu.memory_space<semaphore_mem>>)
    %dma_start3A_507 = arith.constant 2176 : i32
    %dma_start3A_508 = tpu.memref_slice %arg13[%dma_start3A_507] : memref<4096xf32, #tpu.memory_space<vmem>> -> memref<128xf32, #tpu.memory_space<vmem>>
    %dma_start3A_509 = arith.constant 2176 : i32
    %dma_start3A_510 = tpu.memref_slice %arg14[%dma_start3A_509] : memref<4096xi32, #tpu.memory_space<vmem>> -> memref<128xi32, #tpu.memory_space<vmem>>
    %dma_start3A_511 = arith.constant 0 : i32
    %dma_start3A_512 = tpu.memref_slice %arg4[%dma_start3A_511] : memref<16000000xf32, #tpu.memory_space<hbm>> -> memref<16000000xf32, #tpu.memory_space<hbm>>
    tpu.enqueue_indirect_dma source(%dma_start3A_508 : memref<128xf32, #tpu.memory_space<vmem>>) target(%dma_start3A_512 : memref<16000000xf32, #tpu.memory_space<hbm>>) offsets(%dma_start3A_510 : memref<128xi32, #tpu.memory_space<vmem>>) semaphore(%arg17 : memref<!tpu.dma_semaphore, #tpu.memory_space<semaphore_mem>>)
    %dma_start3A_513 = arith.constant 2304 : i32
    %dma_start3A_514 = tpu.memref_slice %arg13[%dma_start3A_513] : memref<4096xf32, #tpu.memory_space<vmem>> -> memref<128xf32, #tpu.memory_space<vmem>>
    %dma_start3A_515 = arith.constant 2304 : i32
    %dma_start3A_516 = tpu.memref_slice %arg14[%dma_start3A_515] : memref<4096xi32, #tpu.memory_space<vmem>> -> memref<128xi32, #tpu.memory_space<vmem>>
    %dma_start3A_517 = arith.constant 0 : i32
    %dma_start3A_518 = tpu.memref_slice %arg4[%dma_start3A_517] : memref<16000000xf32, #tpu.memory_space<hbm>> -> memref<16000000xf32, #tpu.memory_space<hbm>>
    tpu.enqueue_indirect_dma source(%dma_start3A_514 : memref<128xf32, #tpu.memory_space<vmem>>) target(%dma_start3A_518 : memref<16000000xf32, #tpu.memory_space<hbm>>) offsets(%dma_start3A_516 : memref<128xi32, #tpu.memory_space<vmem>>) semaphore(%arg18 : memref<!tpu.dma_semaphore, #tpu.memory_space<semaphore_mem>>)
    %dma_start3A_519 = arith.constant 2432 : i32
    %dma_start3A_520 = tpu.memref_slice %arg13[%dma_start3A_519] : memref<4096xf32, #tpu.memory_space<vmem>> -> memref<128xf32, #tpu.memory_space<vmem>>
    %dma_start3A_521 = arith.constant 2432 : i32
    %dma_start3A_522 = tpu.memref_slice %arg14[%dma_start3A_521] : memref<4096xi32, #tpu.memory_space<vmem>> -> memref<128xi32, #tpu.memory_space<vmem>>
    %dma_start3A_523 = arith.constant 0 : i32
    %dma_start3A_524 = tpu.memref_slice %arg4[%dma_start3A_523] : memref<16000000xf32, #tpu.memory_space<hbm>> -> memref<16000000xf32, #tpu.memory_space<hbm>>
    tpu.enqueue_indirect_dma source(%dma_start3A_520 : memref<128xf32, #tpu.memory_space<vmem>>) target(%dma_start3A_524 : memref<16000000xf32, #tpu.memory_space<hbm>>) offsets(%dma_start3A_522 : memref<128xi32, #tpu.memory_space<vmem>>) semaphore(%arg19 : memref<!tpu.dma_semaphore, #tpu.memory_space<semaphore_mem>>)
    %dma_start3A_525 = arith.constant 2560 : i32
    %dma_start3A_526 = tpu.memref_slice %arg13[%dma_start3A_525] : memref<4096xf32, #tpu.memory_space<vmem>> -> memref<128xf32, #tpu.memory_space<vmem>>
    %dma_start3A_527 = arith.constant 2560 : i32
    %dma_start3A_528 = tpu.memref_slice %arg14[%dma_start3A_527] : memref<4096xi32, #tpu.memory_space<vmem>> -> memref<128xi32, #tpu.memory_space<vmem>>
    %dma_start3A_529 = arith.constant 0 : i32
    %dma_start3A_530 = tpu.memref_slice %arg4[%dma_start3A_529] : memref<16000000xf32, #tpu.memory_space<hbm>> -> memref<16000000xf32, #tpu.memory_space<hbm>>
    tpu.enqueue_indirect_dma source(%dma_start3A_526 : memref<128xf32, #tpu.memory_space<vmem>>) target(%dma_start3A_530 : memref<16000000xf32, #tpu.memory_space<hbm>>) offsets(%dma_start3A_528 : memref<128xi32, #tpu.memory_space<vmem>>) semaphore(%arg20 : memref<!tpu.dma_semaphore, #tpu.memory_space<semaphore_mem>>)
    %dma_start3A_531 = arith.constant 2688 : i32
    %dma_start3A_532 = tpu.memref_slice %arg13[%dma_start3A_531] : memref<4096xf32, #tpu.memory_space<vmem>> -> memref<128xf32, #tpu.memory_space<vmem>>
    %dma_start3A_533 = arith.constant 2688 : i32
    %dma_start3A_534 = tpu.memref_slice %arg14[%dma_start3A_533] : memref<4096xi32, #tpu.memory_space<vmem>> -> memref<128xi32, #tpu.memory_space<vmem>>
    %dma_start3A_535 = arith.constant 0 : i32
    %dma_start3A_536 = tpu.memref_slice %arg4[%dma_start3A_535] : memref<16000000xf32, #tpu.memory_space<hbm>> -> memref<16000000xf32, #tpu.memory_space<hbm>>
    tpu.enqueue_indirect_dma source(%dma_start3A_532 : memref<128xf32, #tpu.memory_space<vmem>>) target(%dma_start3A_536 : memref<16000000xf32, #tpu.memory_space<hbm>>) offsets(%dma_start3A_534 : memref<128xi32, #tpu.memory_space<vmem>>) semaphore(%arg21 : memref<!tpu.dma_semaphore, #tpu.memory_space<semaphore_mem>>)
    %dma_start3A_537 = arith.constant 2816 : i32
    %dma_start3A_538 = tpu.memref_slice %arg13[%dma_start3A_537] : memref<4096xf32, #tpu.memory_space<vmem>> -> memref<128xf32, #tpu.memory_space<vmem>>
    %dma_start3A_539 = arith.constant 2816 : i32
    %dma_start3A_540 = tpu.memref_slice %arg14[%dma_start3A_539] : memref<4096xi32, #tpu.memory_space<vmem>> -> memref<128xi32, #tpu.memory_space<vmem>>
    %dma_start3A_541 = arith.constant 0 : i32
    %dma_start3A_542 = tpu.memref_slice %arg4[%dma_start3A_541] : memref<16000000xf32, #tpu.memory_space<hbm>> -> memref<16000000xf32, #tpu.memory_space<hbm>>
    tpu.enqueue_indirect_dma source(%dma_start3A_538 : memref<128xf32, #tpu.memory_space<vmem>>) target(%dma_start3A_542 : memref<16000000xf32, #tpu.memory_space<hbm>>) offsets(%dma_start3A_540 : memref<128xi32, #tpu.memory_space<vmem>>) semaphore(%arg22 : memref<!tpu.dma_semaphore, #tpu.memory_space<semaphore_mem>>)
    %dma_start3A_543 = arith.constant 2944 : i32
    %dma_start3A_544 = tpu.memref_slice %arg13[%dma_start3A_543] : memref<4096xf32, #tpu.memory_space<vmem>> -> memref<128xf32, #tpu.memory_space<vmem>>
    %dma_start3A_545 = arith.constant 2944 : i32
    %dma_start3A_546 = tpu.memref_slice %arg14[%dma_start3A_545] : memref<4096xi32, #tpu.memory_space<vmem>> -> memref<128xi32, #tpu.memory_space<vmem>>
    %dma_start3A_547 = arith.constant 0 : i32
    %dma_start3A_548 = tpu.memref_slice %arg4[%dma_start3A_547] : memref<16000000xf32, #tpu.memory_space<hbm>> -> memref<16000000xf32, #tpu.memory_space<hbm>>
    tpu.enqueue_indirect_dma source(%dma_start3A_544 : memref<128xf32, #tpu.memory_space<vmem>>) target(%dma_start3A_548 : memref<16000000xf32, #tpu.memory_space<hbm>>) offsets(%dma_start3A_546 : memref<128xi32, #tpu.memory_space<vmem>>) semaphore(%arg23 : memref<!tpu.dma_semaphore, #tpu.memory_space<semaphore_mem>>)
    %dma_start3A_549 = arith.constant 3072 : i32
    %dma_start3A_550 = tpu.memref_slice %arg13[%dma_start3A_549] : memref<4096xf32, #tpu.memory_space<vmem>> -> memref<128xf32, #tpu.memory_space<vmem>>
    %dma_start3A_551 = arith.constant 3072 : i32
    %dma_start3A_552 = tpu.memref_slice %arg14[%dma_start3A_551] : memref<4096xi32, #tpu.memory_space<vmem>> -> memref<128xi32, #tpu.memory_space<vmem>>
    %dma_start3A_553 = arith.constant 0 : i32
    %dma_start3A_554 = tpu.memref_slice %arg4[%dma_start3A_553] : memref<16000000xf32, #tpu.memory_space<hbm>> -> memref<16000000xf32, #tpu.memory_space<hbm>>
    tpu.enqueue_indirect_dma source(%dma_start3A_550 : memref<128xf32, #tpu.memory_space<vmem>>) target(%dma_start3A_554 : memref<16000000xf32, #tpu.memory_space<hbm>>) offsets(%dma_start3A_552 : memref<128xi32, #tpu.memory_space<vmem>>) semaphore(%arg16 : memref<!tpu.dma_semaphore, #tpu.memory_space<semaphore_mem>>)
    %dma_start3A_555 = arith.constant 3200 : i32
    %dma_start3A_556 = tpu.memref_slice %arg13[%dma_start3A_555] : memref<4096xf32, #tpu.memory_space<vmem>> -> memref<128xf32, #tpu.memory_space<vmem>>
    %dma_start3A_557 = arith.constant 3200 : i32
    %dma_start3A_558 = tpu.memref_slice %arg14[%dma_start3A_557] : memref<4096xi32, #tpu.memory_space<vmem>> -> memref<128xi32, #tpu.memory_space<vmem>>
    %dma_start3A_559 = arith.constant 0 : i32
    %dma_start3A_560 = tpu.memref_slice %arg4[%dma_start3A_559] : memref<16000000xf32, #tpu.memory_space<hbm>> -> memref<16000000xf32, #tpu.memory_space<hbm>>
    tpu.enqueue_indirect_dma source(%dma_start3A_556 : memref<128xf32, #tpu.memory_space<vmem>>) target(%dma_start3A_560 : memref<16000000xf32, #tpu.memory_space<hbm>>) offsets(%dma_start3A_558 : memref<128xi32, #tpu.memory_space<vmem>>) semaphore(%arg17 : memref<!tpu.dma_semaphore, #tpu.memory_space<semaphore_mem>>)
    %dma_start3A_561 = arith.constant 3328 : i32
    %dma_start3A_562 = tpu.memref_slice %arg13[%dma_start3A_561] : memref<4096xf32, #tpu.memory_space<vmem>> -> memref<128xf32, #tpu.memory_space<vmem>>
    %dma_start3A_563 = arith.constant 3328 : i32
    %dma_start3A_564 = tpu.memref_slice %arg14[%dma_start3A_563] : memref<4096xi32, #tpu.memory_space<vmem>> -> memref<128xi32, #tpu.memory_space<vmem>>
    %dma_start3A_565 = arith.constant 0 : i32
    %dma_start3A_566 = tpu.memref_slice %arg4[%dma_start3A_565] : memref<16000000xf32, #tpu.memory_space<hbm>> -> memref<16000000xf32, #tpu.memory_space<hbm>>
    tpu.enqueue_indirect_dma source(%dma_start3A_562 : memref<128xf32, #tpu.memory_space<vmem>>) target(%dma_start3A_566 : memref<16000000xf32, #tpu.memory_space<hbm>>) offsets(%dma_start3A_564 : memref<128xi32, #tpu.memory_space<vmem>>) semaphore(%arg18 : memref<!tpu.dma_semaphore, #tpu.memory_space<semaphore_mem>>)
    %dma_start3A_567 = arith.constant 3456 : i32
    %dma_start3A_568 = tpu.memref_slice %arg13[%dma_start3A_567] : memref<4096xf32, #tpu.memory_space<vmem>> -> memref<128xf32, #tpu.memory_space<vmem>>
    %dma_start3A_569 = arith.constant 3456 : i32
    %dma_start3A_570 = tpu.memref_slice %arg14[%dma_start3A_569] : memref<4096xi32, #tpu.memory_space<vmem>> -> memref<128xi32, #tpu.memory_space<vmem>>
    %dma_start3A_571 = arith.constant 0 : i32
    %dma_start3A_572 = tpu.memref_slice %arg4[%dma_start3A_571] : memref<16000000xf32, #tpu.memory_space<hbm>> -> memref<16000000xf32, #tpu.memory_space<hbm>>
    tpu.enqueue_indirect_dma source(%dma_start3A_568 : memref<128xf32, #tpu.memory_space<vmem>>) target(%dma_start3A_572 : memref<16000000xf32, #tpu.memory_space<hbm>>) offsets(%dma_start3A_570 : memref<128xi32, #tpu.memory_space<vmem>>) semaphore(%arg19 : memref<!tpu.dma_semaphore, #tpu.memory_space<semaphore_mem>>)
    %dma_start3A_573 = arith.constant 3584 : i32
    %dma_start3A_574 = tpu.memref_slice %arg13[%dma_start3A_573] : memref<4096xf32, #tpu.memory_space<vmem>> -> memref<128xf32, #tpu.memory_space<vmem>>
    %dma_start3A_575 = arith.constant 3584 : i32
    %dma_start3A_576 = tpu.memref_slice %arg14[%dma_start3A_575] : memref<4096xi32, #tpu.memory_space<vmem>> -> memref<128xi32, #tpu.memory_space<vmem>>
    %dma_start3A_577 = arith.constant 0 : i32
    %dma_start3A_578 = tpu.memref_slice %arg4[%dma_start3A_577] : memref<16000000xf32, #tpu.memory_space<hbm>> -> memref<16000000xf32, #tpu.memory_space<hbm>>
    tpu.enqueue_indirect_dma source(%dma_start3A_574 : memref<128xf32, #tpu.memory_space<vmem>>) target(%dma_start3A_578 : memref<16000000xf32, #tpu.memory_space<hbm>>) offsets(%dma_start3A_576 : memref<128xi32, #tpu.memory_space<vmem>>) semaphore(%arg20 : memref<!tpu.dma_semaphore, #tpu.memory_space<semaphore_mem>>)
    %dma_start3A_579 = arith.constant 3712 : i32
    %dma_start3A_580 = tpu.memref_slice %arg13[%dma_start3A_579] : memref<4096xf32, #tpu.memory_space<vmem>> -> memref<128xf32, #tpu.memory_space<vmem>>
    %dma_start3A_581 = arith.constant 3712 : i32
    %dma_start3A_582 = tpu.memref_slice %arg14[%dma_start3A_581] : memref<4096xi32, #tpu.memory_space<vmem>> -> memref<128xi32, #tpu.memory_space<vmem>>
    %dma_start3A_583 = arith.constant 0 : i32
    %dma_start3A_584 = tpu.memref_slice %arg4[%dma_start3A_583] : memref<16000000xf32, #tpu.memory_space<hbm>> -> memref<16000000xf32, #tpu.memory_space<hbm>>
    tpu.enqueue_indirect_dma source(%dma_start3A_580 : memref<128xf32, #tpu.memory_space<vmem>>) target(%dma_start3A_584 : memref<16000000xf32, #tpu.memory_space<hbm>>) offsets(%dma_start3A_582 : memref<128xi32, #tpu.memory_space<vmem>>) semaphore(%arg21 : memref<!tpu.dma_semaphore, #tpu.memory_space<semaphore_mem>>)
    %dma_start3A_585 = arith.constant 3840 : i32
    %dma_start3A_586 = tpu.memref_slice %arg13[%dma_start3A_585] : memref<4096xf32, #tpu.memory_space<vmem>> -> memref<128xf32, #tpu.memory_space<vmem>>
    %dma_start3A_587 = arith.constant 3840 : i32
    %dma_start3A_588 = tpu.memref_slice %arg14[%dma_start3A_587] : memref<4096xi32, #tpu.memory_space<vmem>> -> memref<128xi32, #tpu.memory_space<vmem>>
    %dma_start3A_589 = arith.constant 0 : i32
    %dma_start3A_590 = tpu.memref_slice %arg4[%dma_start3A_589] : memref<16000000xf32, #tpu.memory_space<hbm>> -> memref<16000000xf32, #tpu.memory_space<hbm>>
    tpu.enqueue_indirect_dma source(%dma_start3A_586 : memref<128xf32, #tpu.memory_space<vmem>>) target(%dma_start3A_590 : memref<16000000xf32, #tpu.memory_space<hbm>>) offsets(%dma_start3A_588 : memref<128xi32, #tpu.memory_space<vmem>>) semaphore(%arg22 : memref<!tpu.dma_semaphore, #tpu.memory_space<semaphore_mem>>)
    %dma_start3A_591 = arith.constant 3968 : i32
    %dma_start3A_592 = tpu.memref_slice %arg13[%dma_start3A_591] : memref<4096xf32, #tpu.memory_space<vmem>> -> memref<128xf32, #tpu.memory_space<vmem>>
    %dma_start3A_593 = arith.constant 3968 : i32
    %dma_start3A_594 = tpu.memref_slice %arg14[%dma_start3A_593] : memref<4096xi32, #tpu.memory_space<vmem>> -> memref<128xi32, #tpu.memory_space<vmem>>
    %dma_start3A_595 = arith.constant 0 : i32
    %dma_start3A_596 = tpu.memref_slice %arg4[%dma_start3A_595] : memref<16000000xf32, #tpu.memory_space<hbm>> -> memref<16000000xf32, #tpu.memory_space<hbm>>
    tpu.enqueue_indirect_dma source(%dma_start3A_592 : memref<128xf32, #tpu.memory_space<vmem>>) target(%dma_start3A_596 : memref<16000000xf32, #tpu.memory_space<hbm>>) offsets(%dma_start3A_594 : memref<128xi32, #tpu.memory_space<vmem>>) semaphore(%arg23 : memref<!tpu.dma_semaphore, #tpu.memory_space<semaphore_mem>>)
    %dma_wait3A_597 = arith.constant 0 : i32
    %dma_wait3A_598 = tpu.memref_slice %arg13[%dma_wait3A_597] : memref<4096xf32, #tpu.memory_space<vmem>> -> memref<128xf32, #tpu.memory_space<vmem>>
    %dma_wait3A_599 = arith.constant 0 : i32
    %dma_wait3A_600 = tpu.memref_slice %arg14[%dma_wait3A_599] : memref<4096xi32, #tpu.memory_space<vmem>> -> memref<128xi32, #tpu.memory_space<vmem>>
    %dma_wait3A_601 = arith.constant 0 : i32
    %dma_wait3A_602 = tpu.memref_slice %arg4[%dma_wait3A_601] : memref<16000000xf32, #tpu.memory_space<hbm>> -> memref<16000000xf32, #tpu.memory_space<hbm>>
    tpu.wait_indirect_dma semaphore(%arg16 : memref<!tpu.dma_semaphore, #tpu.memory_space<semaphore_mem>>) src(%dma_wait3A_598 : memref<128xf32, #tpu.memory_space<vmem>>) dst(%dma_wait3A_602 : memref<16000000xf32, #tpu.memory_space<hbm>>)
    %dma_wait3A_603 = arith.constant 128 : i32
    %dma_wait3A_604 = tpu.memref_slice %arg13[%dma_wait3A_603] : memref<4096xf32, #tpu.memory_space<vmem>> -> memref<128xf32, #tpu.memory_space<vmem>>
    %dma_wait3A_605 = arith.constant 128 : i32
    %dma_wait3A_606 = tpu.memref_slice %arg14[%dma_wait3A_605] : memref<4096xi32, #tpu.memory_space<vmem>> -> memref<128xi32, #tpu.memory_space<vmem>>
    %dma_wait3A_607 = arith.constant 0 : i32
    %dma_wait3A_608 = tpu.memref_slice %arg4[%dma_wait3A_607] : memref<16000000xf32, #tpu.memory_space<hbm>> -> memref<16000000xf32, #tpu.memory_space<hbm>>
    tpu.wait_indirect_dma semaphore(%arg17 : memref<!tpu.dma_semaphore, #tpu.memory_space<semaphore_mem>>) src(%dma_wait3A_604 : memref<128xf32, #tpu.memory_space<vmem>>) dst(%dma_wait3A_608 : memref<16000000xf32, #tpu.memory_space<hbm>>)
    %dma_wait3A_609 = arith.constant 256 : i32
    %dma_wait3A_610 = tpu.memref_slice %arg13[%dma_wait3A_609] : memref<4096xf32, #tpu.memory_space<vmem>> -> memref<128xf32, #tpu.memory_space<vmem>>
    %dma_wait3A_611 = arith.constant 256 : i32
    %dma_wait3A_612 = tpu.memref_slice %arg14[%dma_wait3A_611] : memref<4096xi32, #tpu.memory_space<vmem>> -> memref<128xi32, #tpu.memory_space<vmem>>
    %dma_wait3A_613 = arith.constant 0 : i32
    %dma_wait3A_614 = tpu.memref_slice %arg4[%dma_wait3A_613] : memref<16000000xf32, #tpu.memory_space<hbm>> -> memref<16000000xf32, #tpu.memory_space<hbm>>
    tpu.wait_indirect_dma semaphore(%arg18 : memref<!tpu.dma_semaphore, #tpu.memory_space<semaphore_mem>>) src(%dma_wait3A_610 : memref<128xf32, #tpu.memory_space<vmem>>) dst(%dma_wait3A_614 : memref<16000000xf32, #tpu.memory_space<hbm>>)
    %dma_wait3A_615 = arith.constant 384 : i32
    %dma_wait3A_616 = tpu.memref_slice %arg13[%dma_wait3A_615] : memref<4096xf32, #tpu.memory_space<vmem>> -> memref<128xf32, #tpu.memory_space<vmem>>
    %dma_wait3A_617 = arith.constant 384 : i32
    %dma_wait3A_618 = tpu.memref_slice %arg14[%dma_wait3A_617] : memref<4096xi32, #tpu.memory_space<vmem>> -> memref<128xi32, #tpu.memory_space<vmem>>
    %dma_wait3A_619 = arith.constant 0 : i32
    %dma_wait3A_620 = tpu.memref_slice %arg4[%dma_wait3A_619] : memref<16000000xf32, #tpu.memory_space<hbm>> -> memref<16000000xf32, #tpu.memory_space<hbm>>
    tpu.wait_indirect_dma semaphore(%arg19 : memref<!tpu.dma_semaphore, #tpu.memory_space<semaphore_mem>>) src(%dma_wait3A_616 : memref<128xf32, #tpu.memory_space<vmem>>) dst(%dma_wait3A_620 : memref<16000000xf32, #tpu.memory_space<hbm>>)
    %dma_wait3A_621 = arith.constant 512 : i32
    %dma_wait3A_622 = tpu.memref_slice %arg13[%dma_wait3A_621] : memref<4096xf32, #tpu.memory_space<vmem>> -> memref<128xf32, #tpu.memory_space<vmem>>
    %dma_wait3A_623 = arith.constant 512 : i32
    %dma_wait3A_624 = tpu.memref_slice %arg14[%dma_wait3A_623] : memref<4096xi32, #tpu.memory_space<vmem>> -> memref<128xi32, #tpu.memory_space<vmem>>
    %dma_wait3A_625 = arith.constant 0 : i32
    %dma_wait3A_626 = tpu.memref_slice %arg4[%dma_wait3A_625] : memref<16000000xf32, #tpu.memory_space<hbm>> -> memref<16000000xf32, #tpu.memory_space<hbm>>
    tpu.wait_indirect_dma semaphore(%arg20 : memref<!tpu.dma_semaphore, #tpu.memory_space<semaphore_mem>>) src(%dma_wait3A_622 : memref<128xf32, #tpu.memory_space<vmem>>) dst(%dma_wait3A_626 : memref<16000000xf32, #tpu.memory_space<hbm>>)
    %dma_wait3A_627 = arith.constant 640 : i32
    %dma_wait3A_628 = tpu.memref_slice %arg13[%dma_wait3A_627] : memref<4096xf32, #tpu.memory_space<vmem>> -> memref<128xf32, #tpu.memory_space<vmem>>
    %dma_wait3A_629 = arith.constant 640 : i32
    %dma_wait3A_630 = tpu.memref_slice %arg14[%dma_wait3A_629] : memref<4096xi32, #tpu.memory_space<vmem>> -> memref<128xi32, #tpu.memory_space<vmem>>
    %dma_wait3A_631 = arith.constant 0 : i32
    %dma_wait3A_632 = tpu.memref_slice %arg4[%dma_wait3A_631] : memref<16000000xf32, #tpu.memory_space<hbm>> -> memref<16000000xf32, #tpu.memory_space<hbm>>
    tpu.wait_indirect_dma semaphore(%arg21 : memref<!tpu.dma_semaphore, #tpu.memory_space<semaphore_mem>>) src(%dma_wait3A_628 : memref<128xf32, #tpu.memory_space<vmem>>) dst(%dma_wait3A_632 : memref<16000000xf32, #tpu.memory_space<hbm>>)
    %dma_wait3A_633 = arith.constant 768 : i32
    %dma_wait3A_634 = tpu.memref_slice %arg13[%dma_wait3A_633] : memref<4096xf32, #tpu.memory_space<vmem>> -> memref<128xf32, #tpu.memory_space<vmem>>
    %dma_wait3A_635 = arith.constant 768 : i32
    %dma_wait3A_636 = tpu.memref_slice %arg14[%dma_wait3A_635] : memref<4096xi32, #tpu.memory_space<vmem>> -> memref<128xi32, #tpu.memory_space<vmem>>
    %dma_wait3A_637 = arith.constant 0 : i32
    %dma_wait3A_638 = tpu.memref_slice %arg4[%dma_wait3A_637] : memref<16000000xf32, #tpu.memory_space<hbm>> -> memref<16000000xf32, #tpu.memory_space<hbm>>
    tpu.wait_indirect_dma semaphore(%arg22 : memref<!tpu.dma_semaphore, #tpu.memory_space<semaphore_mem>>) src(%dma_wait3A_634 : memref<128xf32, #tpu.memory_space<vmem>>) dst(%dma_wait3A_638 : memref<16000000xf32, #tpu.memory_space<hbm>>)
    %dma_wait3A_639 = arith.constant 896 : i32
    %dma_wait3A_640 = tpu.memref_slice %arg13[%dma_wait3A_639] : memref<4096xf32, #tpu.memory_space<vmem>> -> memref<128xf32, #tpu.memory_space<vmem>>
    %dma_wait3A_641 = arith.constant 896 : i32
    %dma_wait3A_642 = tpu.memref_slice %arg14[%dma_wait3A_641] : memref<4096xi32, #tpu.memory_space<vmem>> -> memref<128xi32, #tpu.memory_space<vmem>>
    %dma_wait3A_643 = arith.constant 0 : i32
    %dma_wait3A_644 = tpu.memref_slice %arg4[%dma_wait3A_643] : memref<16000000xf32, #tpu.memory_space<hbm>> -> memref<16000000xf32, #tpu.memory_space<hbm>>
    tpu.wait_indirect_dma semaphore(%arg23 : memref<!tpu.dma_semaphore, #tpu.memory_space<semaphore_mem>>) src(%dma_wait3A_640 : memref<128xf32, #tpu.memory_space<vmem>>) dst(%dma_wait3A_644 : memref<16000000xf32, #tpu.memory_space<hbm>>)
    %dma_wait3A_645 = arith.constant 1024 : i32
    %dma_wait3A_646 = tpu.memref_slice %arg13[%dma_wait3A_645] : memref<4096xf32, #tpu.memory_space<vmem>> -> memref<128xf32, #tpu.memory_space<vmem>>
    %dma_wait3A_647 = arith.constant 1024 : i32
    %dma_wait3A_648 = tpu.memref_slice %arg14[%dma_wait3A_647] : memref<4096xi32, #tpu.memory_space<vmem>> -> memref<128xi32, #tpu.memory_space<vmem>>
    %dma_wait3A_649 = arith.constant 0 : i32
    %dma_wait3A_650 = tpu.memref_slice %arg4[%dma_wait3A_649] : memref<16000000xf32, #tpu.memory_space<hbm>> -> memref<16000000xf32, #tpu.memory_space<hbm>>
    tpu.wait_indirect_dma semaphore(%arg16 : memref<!tpu.dma_semaphore, #tpu.memory_space<semaphore_mem>>) src(%dma_wait3A_646 : memref<128xf32, #tpu.memory_space<vmem>>) dst(%dma_wait3A_650 : memref<16000000xf32, #tpu.memory_space<hbm>>)
    %dma_wait3A_651 = arith.constant 1152 : i32
    %dma_wait3A_652 = tpu.memref_slice %arg13[%dma_wait3A_651] : memref<4096xf32, #tpu.memory_space<vmem>> -> memref<128xf32, #tpu.memory_space<vmem>>
    %dma_wait3A_653 = arith.constant 1152 : i32
    %dma_wait3A_654 = tpu.memref_slice %arg14[%dma_wait3A_653] : memref<4096xi32, #tpu.memory_space<vmem>> -> memref<128xi32, #tpu.memory_space<vmem>>
    %dma_wait3A_655 = arith.constant 0 : i32
    %dma_wait3A_656 = tpu.memref_slice %arg4[%dma_wait3A_655] : memref<16000000xf32, #tpu.memory_space<hbm>> -> memref<16000000xf32, #tpu.memory_space<hbm>>
    tpu.wait_indirect_dma semaphore(%arg17 : memref<!tpu.dma_semaphore, #tpu.memory_space<semaphore_mem>>) src(%dma_wait3A_652 : memref<128xf32, #tpu.memory_space<vmem>>) dst(%dma_wait3A_656 : memref<16000000xf32, #tpu.memory_space<hbm>>)
    %dma_wait3A_657 = arith.constant 1280 : i32
    %dma_wait3A_658 = tpu.memref_slice %arg13[%dma_wait3A_657] : memref<4096xf32, #tpu.memory_space<vmem>> -> memref<128xf32, #tpu.memory_space<vmem>>
    %dma_wait3A_659 = arith.constant 1280 : i32
    %dma_wait3A_660 = tpu.memref_slice %arg14[%dma_wait3A_659] : memref<4096xi32, #tpu.memory_space<vmem>> -> memref<128xi32, #tpu.memory_space<vmem>>
    %dma_wait3A_661 = arith.constant 0 : i32
    %dma_wait3A_662 = tpu.memref_slice %arg4[%dma_wait3A_661] : memref<16000000xf32, #tpu.memory_space<hbm>> -> memref<16000000xf32, #tpu.memory_space<hbm>>
    tpu.wait_indirect_dma semaphore(%arg18 : memref<!tpu.dma_semaphore, #tpu.memory_space<semaphore_mem>>) src(%dma_wait3A_658 : memref<128xf32, #tpu.memory_space<vmem>>) dst(%dma_wait3A_662 : memref<16000000xf32, #tpu.memory_space<hbm>>)
    %dma_wait3A_663 = arith.constant 1408 : i32
    %dma_wait3A_664 = tpu.memref_slice %arg13[%dma_wait3A_663] : memref<4096xf32, #tpu.memory_space<vmem>> -> memref<128xf32, #tpu.memory_space<vmem>>
    %dma_wait3A_665 = arith.constant 1408 : i32
    %dma_wait3A_666 = tpu.memref_slice %arg14[%dma_wait3A_665] : memref<4096xi32, #tpu.memory_space<vmem>> -> memref<128xi32, #tpu.memory_space<vmem>>
    %dma_wait3A_667 = arith.constant 0 : i32
    %dma_wait3A_668 = tpu.memref_slice %arg4[%dma_wait3A_667] : memref<16000000xf32, #tpu.memory_space<hbm>> -> memref<16000000xf32, #tpu.memory_space<hbm>>
    tpu.wait_indirect_dma semaphore(%arg19 : memref<!tpu.dma_semaphore, #tpu.memory_space<semaphore_mem>>) src(%dma_wait3A_664 : memref<128xf32, #tpu.memory_space<vmem>>) dst(%dma_wait3A_668 : memref<16000000xf32, #tpu.memory_space<hbm>>)
    %dma_wait3A_669 = arith.constant 1536 : i32
    %dma_wait3A_670 = tpu.memref_slice %arg13[%dma_wait3A_669] : memref<4096xf32, #tpu.memory_space<vmem>> -> memref<128xf32, #tpu.memory_space<vmem>>
    %dma_wait3A_671 = arith.constant 1536 : i32
    %dma_wait3A_672 = tpu.memref_slice %arg14[%dma_wait3A_671] : memref<4096xi32, #tpu.memory_space<vmem>> -> memref<128xi32, #tpu.memory_space<vmem>>
    %dma_wait3A_673 = arith.constant 0 : i32
    %dma_wait3A_674 = tpu.memref_slice %arg4[%dma_wait3A_673] : memref<16000000xf32, #tpu.memory_space<hbm>> -> memref<16000000xf32, #tpu.memory_space<hbm>>
    tpu.wait_indirect_dma semaphore(%arg20 : memref<!tpu.dma_semaphore, #tpu.memory_space<semaphore_mem>>) src(%dma_wait3A_670 : memref<128xf32, #tpu.memory_space<vmem>>) dst(%dma_wait3A_674 : memref<16000000xf32, #tpu.memory_space<hbm>>)
    %dma_wait3A_675 = arith.constant 1664 : i32
    %dma_wait3A_676 = tpu.memref_slice %arg13[%dma_wait3A_675] : memref<4096xf32, #tpu.memory_space<vmem>> -> memref<128xf32, #tpu.memory_space<vmem>>
    %dma_wait3A_677 = arith.constant 1664 : i32
    %dma_wait3A_678 = tpu.memref_slice %arg14[%dma_wait3A_677] : memref<4096xi32, #tpu.memory_space<vmem>> -> memref<128xi32, #tpu.memory_space<vmem>>
    %dma_wait3A_679 = arith.constant 0 : i32
    %dma_wait3A_680 = tpu.memref_slice %arg4[%dma_wait3A_679] : memref<16000000xf32, #tpu.memory_space<hbm>> -> memref<16000000xf32, #tpu.memory_space<hbm>>
    tpu.wait_indirect_dma semaphore(%arg21 : memref<!tpu.dma_semaphore, #tpu.memory_space<semaphore_mem>>) src(%dma_wait3A_676 : memref<128xf32, #tpu.memory_space<vmem>>) dst(%dma_wait3A_680 : memref<16000000xf32, #tpu.memory_space<hbm>>)
    %dma_wait3A_681 = arith.constant 1792 : i32
    %dma_wait3A_682 = tpu.memref_slice %arg13[%dma_wait3A_681] : memref<4096xf32, #tpu.memory_space<vmem>> -> memref<128xf32, #tpu.memory_space<vmem>>
    %dma_wait3A_683 = arith.constant 1792 : i32
    %dma_wait3A_684 = tpu.memref_slice %arg14[%dma_wait3A_683] : memref<4096xi32, #tpu.memory_space<vmem>> -> memref<128xi32, #tpu.memory_space<vmem>>
    %dma_wait3A_685 = arith.constant 0 : i32
    %dma_wait3A_686 = tpu.memref_slice %arg4[%dma_wait3A_685] : memref<16000000xf32, #tpu.memory_space<hbm>> -> memref<16000000xf32, #tpu.memory_space<hbm>>
    tpu.wait_indirect_dma semaphore(%arg22 : memref<!tpu.dma_semaphore, #tpu.memory_space<semaphore_mem>>) src(%dma_wait3A_682 : memref<128xf32, #tpu.memory_space<vmem>>) dst(%dma_wait3A_686 : memref<16000000xf32, #tpu.memory_space<hbm>>)
    %dma_wait3A_687 = arith.constant 1920 : i32
    %dma_wait3A_688 = tpu.memref_slice %arg13[%dma_wait3A_687] : memref<4096xf32, #tpu.memory_space<vmem>> -> memref<128xf32, #tpu.memory_space<vmem>>
    %dma_wait3A_689 = arith.constant 1920 : i32
    %dma_wait3A_690 = tpu.memref_slice %arg14[%dma_wait3A_689] : memref<4096xi32, #tpu.memory_space<vmem>> -> memref<128xi32, #tpu.memory_space<vmem>>
    %dma_wait3A_691 = arith.constant 0 : i32
    %dma_wait3A_692 = tpu.memref_slice %arg4[%dma_wait3A_691] : memref<16000000xf32, #tpu.memory_space<hbm>> -> memref<16000000xf32, #tpu.memory_space<hbm>>
    tpu.wait_indirect_dma semaphore(%arg23 : memref<!tpu.dma_semaphore, #tpu.memory_space<semaphore_mem>>) src(%dma_wait3A_688 : memref<128xf32, #tpu.memory_space<vmem>>) dst(%dma_wait3A_692 : memref<16000000xf32, #tpu.memory_space<hbm>>)
    %dma_wait3A_693 = arith.constant 2048 : i32
    %dma_wait3A_694 = tpu.memref_slice %arg13[%dma_wait3A_693] : memref<4096xf32, #tpu.memory_space<vmem>> -> memref<128xf32, #tpu.memory_space<vmem>>
    %dma_wait3A_695 = arith.constant 2048 : i32
    %dma_wait3A_696 = tpu.memref_slice %arg14[%dma_wait3A_695] : memref<4096xi32, #tpu.memory_space<vmem>> -> memref<128xi32, #tpu.memory_space<vmem>>
    %dma_wait3A_697 = arith.constant 0 : i32
    %dma_wait3A_698 = tpu.memref_slice %arg4[%dma_wait3A_697] : memref<16000000xf32, #tpu.memory_space<hbm>> -> memref<16000000xf32, #tpu.memory_space<hbm>>
    tpu.wait_indirect_dma semaphore(%arg16 : memref<!tpu.dma_semaphore, #tpu.memory_space<semaphore_mem>>) src(%dma_wait3A_694 : memref<128xf32, #tpu.memory_space<vmem>>) dst(%dma_wait3A_698 : memref<16000000xf32, #tpu.memory_space<hbm>>)
    %dma_wait3A_699 = arith.constant 2176 : i32
    %dma_wait3A_700 = tpu.memref_slice %arg13[%dma_wait3A_699] : memref<4096xf32, #tpu.memory_space<vmem>> -> memref<128xf32, #tpu.memory_space<vmem>>
    %dma_wait3A_701 = arith.constant 2176 : i32
    %dma_wait3A_702 = tpu.memref_slice %arg14[%dma_wait3A_701] : memref<4096xi32, #tpu.memory_space<vmem>> -> memref<128xi32, #tpu.memory_space<vmem>>
    %dma_wait3A_703 = arith.constant 0 : i32
    %dma_wait3A_704 = tpu.memref_slice %arg4[%dma_wait3A_703] : memref<16000000xf32, #tpu.memory_space<hbm>> -> memref<16000000xf32, #tpu.memory_space<hbm>>
    tpu.wait_indirect_dma semaphore(%arg17 : memref<!tpu.dma_semaphore, #tpu.memory_space<semaphore_mem>>) src(%dma_wait3A_700 : memref<128xf32, #tpu.memory_space<vmem>>) dst(%dma_wait3A_704 : memref<16000000xf32, #tpu.memory_space<hbm>>)
    %dma_wait3A_705 = arith.constant 2304 : i32
    %dma_wait3A_706 = tpu.memref_slice %arg13[%dma_wait3A_705] : memref<4096xf32, #tpu.memory_space<vmem>> -> memref<128xf32, #tpu.memory_space<vmem>>
    %dma_wait3A_707 = arith.constant 2304 : i32
    %dma_wait3A_708 = tpu.memref_slice %arg14[%dma_wait3A_707] : memref<4096xi32, #tpu.memory_space<vmem>> -> memref<128xi32, #tpu.memory_space<vmem>>
    %dma_wait3A_709 = arith.constant 0 : i32
    %dma_wait3A_710 = tpu.memref_slice %arg4[%dma_wait3A_709] : memref<16000000xf32, #tpu.memory_space<hbm>> -> memref<16000000xf32, #tpu.memory_space<hbm>>
    tpu.wait_indirect_dma semaphore(%arg18 : memref<!tpu.dma_semaphore, #tpu.memory_space<semaphore_mem>>) src(%dma_wait3A_706 : memref<128xf32, #tpu.memory_space<vmem>>) dst(%dma_wait3A_710 : memref<16000000xf32, #tpu.memory_space<hbm>>)
    %dma_wait3A_711 = arith.constant 2432 : i32
    %dma_wait3A_712 = tpu.memref_slice %arg13[%dma_wait3A_711] : memref<4096xf32, #tpu.memory_space<vmem>> -> memref<128xf32, #tpu.memory_space<vmem>>
    %dma_wait3A_713 = arith.constant 2432 : i32
    %dma_wait3A_714 = tpu.memref_slice %arg14[%dma_wait3A_713] : memref<4096xi32, #tpu.memory_space<vmem>> -> memref<128xi32, #tpu.memory_space<vmem>>
    %dma_wait3A_715 = arith.constant 0 : i32
    %dma_wait3A_716 = tpu.memref_slice %arg4[%dma_wait3A_715] : memref<16000000xf32, #tpu.memory_space<hbm>> -> memref<16000000xf32, #tpu.memory_space<hbm>>
    tpu.wait_indirect_dma semaphore(%arg19 : memref<!tpu.dma_semaphore, #tpu.memory_space<semaphore_mem>>) src(%dma_wait3A_712 : memref<128xf32, #tpu.memory_space<vmem>>) dst(%dma_wait3A_716 : memref<16000000xf32, #tpu.memory_space<hbm>>)
    %dma_wait3A_717 = arith.constant 2560 : i32
    %dma_wait3A_718 = tpu.memref_slice %arg13[%dma_wait3A_717] : memref<4096xf32, #tpu.memory_space<vmem>> -> memref<128xf32, #tpu.memory_space<vmem>>
    %dma_wait3A_719 = arith.constant 2560 : i32
    %dma_wait3A_720 = tpu.memref_slice %arg14[%dma_wait3A_719] : memref<4096xi32, #tpu.memory_space<vmem>> -> memref<128xi32, #tpu.memory_space<vmem>>
    %dma_wait3A_721 = arith.constant 0 : i32
    %dma_wait3A_722 = tpu.memref_slice %arg4[%dma_wait3A_721] : memref<16000000xf32, #tpu.memory_space<hbm>> -> memref<16000000xf32, #tpu.memory_space<hbm>>
    tpu.wait_indirect_dma semaphore(%arg20 : memref<!tpu.dma_semaphore, #tpu.memory_space<semaphore_mem>>) src(%dma_wait3A_718 : memref<128xf32, #tpu.memory_space<vmem>>) dst(%dma_wait3A_722 : memref<16000000xf32, #tpu.memory_space<hbm>>)
    %dma_wait3A_723 = arith.constant 2688 : i32
    %dma_wait3A_724 = tpu.memref_slice %arg13[%dma_wait3A_723] : memref<4096xf32, #tpu.memory_space<vmem>> -> memref<128xf32, #tpu.memory_space<vmem>>
    %dma_wait3A_725 = arith.constant 2688 : i32
    %dma_wait3A_726 = tpu.memref_slice %arg14[%dma_wait3A_725] : memref<4096xi32, #tpu.memory_space<vmem>> -> memref<128xi32, #tpu.memory_space<vmem>>
    %dma_wait3A_727 = arith.constant 0 : i32
    %dma_wait3A_728 = tpu.memref_slice %arg4[%dma_wait3A_727] : memref<16000000xf32, #tpu.memory_space<hbm>> -> memref<16000000xf32, #tpu.memory_space<hbm>>
    tpu.wait_indirect_dma semaphore(%arg21 : memref<!tpu.dma_semaphore, #tpu.memory_space<semaphore_mem>>) src(%dma_wait3A_724 : memref<128xf32, #tpu.memory_space<vmem>>) dst(%dma_wait3A_728 : memref<16000000xf32, #tpu.memory_space<hbm>>)
    %dma_wait3A_729 = arith.constant 2816 : i32
    %dma_wait3A_730 = tpu.memref_slice %arg13[%dma_wait3A_729] : memref<4096xf32, #tpu.memory_space<vmem>> -> memref<128xf32, #tpu.memory_space<vmem>>
    %dma_wait3A_731 = arith.constant 2816 : i32
    %dma_wait3A_732 = tpu.memref_slice %arg14[%dma_wait3A_731] : memref<4096xi32, #tpu.memory_space<vmem>> -> memref<128xi32, #tpu.memory_space<vmem>>
    %dma_wait3A_733 = arith.constant 0 : i32
    %dma_wait3A_734 = tpu.memref_slice %arg4[%dma_wait3A_733] : memref<16000000xf32, #tpu.memory_space<hbm>> -> memref<16000000xf32, #tpu.memory_space<hbm>>
    tpu.wait_indirect_dma semaphore(%arg22 : memref<!tpu.dma_semaphore, #tpu.memory_space<semaphore_mem>>) src(%dma_wait3A_730 : memref<128xf32, #tpu.memory_space<vmem>>) dst(%dma_wait3A_734 : memref<16000000xf32, #tpu.memory_space<hbm>>)
    %dma_wait3A_735 = arith.constant 2944 : i32
    %dma_wait3A_736 = tpu.memref_slice %arg13[%dma_wait3A_735] : memref<4096xf32, #tpu.memory_space<vmem>> -> memref<128xf32, #tpu.memory_space<vmem>>
    %dma_wait3A_737 = arith.constant 2944 : i32
    %dma_wait3A_738 = tpu.memref_slice %arg14[%dma_wait3A_737] : memref<4096xi32, #tpu.memory_space<vmem>> -> memref<128xi32, #tpu.memory_space<vmem>>
    %dma_wait3A_739 = arith.constant 0 : i32
    %dma_wait3A_740 = tpu.memref_slice %arg4[%dma_wait3A_739] : memref<16000000xf32, #tpu.memory_space<hbm>> -> memref<16000000xf32, #tpu.memory_space<hbm>>
    tpu.wait_indirect_dma semaphore(%arg23 : memref<!tpu.dma_semaphore, #tpu.memory_space<semaphore_mem>>) src(%dma_wait3A_736 : memref<128xf32, #tpu.memory_space<vmem>>) dst(%dma_wait3A_740 : memref<16000000xf32, #tpu.memory_space<hbm>>)
    %dma_wait3A_741 = arith.constant 3072 : i32
    %dma_wait3A_742 = tpu.memref_slice %arg13[%dma_wait3A_741] : memref<4096xf32, #tpu.memory_space<vmem>> -> memref<128xf32, #tpu.memory_space<vmem>>
    %dma_wait3A_743 = arith.constant 3072 : i32
    %dma_wait3A_744 = tpu.memref_slice %arg14[%dma_wait3A_743] : memref<4096xi32, #tpu.memory_space<vmem>> -> memref<128xi32, #tpu.memory_space<vmem>>
    %dma_wait3A_745 = arith.constant 0 : i32
    %dma_wait3A_746 = tpu.memref_slice %arg4[%dma_wait3A_745] : memref<16000000xf32, #tpu.memory_space<hbm>> -> memref<16000000xf32, #tpu.memory_space<hbm>>
    tpu.wait_indirect_dma semaphore(%arg16 : memref<!tpu.dma_semaphore, #tpu.memory_space<semaphore_mem>>) src(%dma_wait3A_742 : memref<128xf32, #tpu.memory_space<vmem>>) dst(%dma_wait3A_746 : memref<16000000xf32, #tpu.memory_space<hbm>>)
    %dma_wait3A_747 = arith.constant 3200 : i32
    %dma_wait3A_748 = tpu.memref_slice %arg13[%dma_wait3A_747] : memref<4096xf32, #tpu.memory_space<vmem>> -> memref<128xf32, #tpu.memory_space<vmem>>
    %dma_wait3A_749 = arith.constant 3200 : i32
    %dma_wait3A_750 = tpu.memref_slice %arg14[%dma_wait3A_749] : memref<4096xi32, #tpu.memory_space<vmem>> -> memref<128xi32, #tpu.memory_space<vmem>>
    %dma_wait3A_751 = arith.constant 0 : i32
    %dma_wait3A_752 = tpu.memref_slice %arg4[%dma_wait3A_751] : memref<16000000xf32, #tpu.memory_space<hbm>> -> memref<16000000xf32, #tpu.memory_space<hbm>>
    tpu.wait_indirect_dma semaphore(%arg17 : memref<!tpu.dma_semaphore, #tpu.memory_space<semaphore_mem>>) src(%dma_wait3A_748 : memref<128xf32, #tpu.memory_space<vmem>>) dst(%dma_wait3A_752 : memref<16000000xf32, #tpu.memory_space<hbm>>)
    %dma_wait3A_753 = arith.constant 3328 : i32
    %dma_wait3A_754 = tpu.memref_slice %arg13[%dma_wait3A_753] : memref<4096xf32, #tpu.memory_space<vmem>> -> memref<128xf32, #tpu.memory_space<vmem>>
    %dma_wait3A_755 = arith.constant 3328 : i32
    %dma_wait3A_756 = tpu.memref_slice %arg14[%dma_wait3A_755] : memref<4096xi32, #tpu.memory_space<vmem>> -> memref<128xi32, #tpu.memory_space<vmem>>
    %dma_wait3A_757 = arith.constant 0 : i32
    %dma_wait3A_758 = tpu.memref_slice %arg4[%dma_wait3A_757] : memref<16000000xf32, #tpu.memory_space<hbm>> -> memref<16000000xf32, #tpu.memory_space<hbm>>
    tpu.wait_indirect_dma semaphore(%arg18 : memref<!tpu.dma_semaphore, #tpu.memory_space<semaphore_mem>>) src(%dma_wait3A_754 : memref<128xf32, #tpu.memory_space<vmem>>) dst(%dma_wait3A_758 : memref<16000000xf32, #tpu.memory_space<hbm>>)
    %dma_wait3A_759 = arith.constant 3456 : i32
    %dma_wait3A_760 = tpu.memref_slice %arg13[%dma_wait3A_759] : memref<4096xf32, #tpu.memory_space<vmem>> -> memref<128xf32, #tpu.memory_space<vmem>>
    %dma_wait3A_761 = arith.constant 3456 : i32
    %dma_wait3A_762 = tpu.memref_slice %arg14[%dma_wait3A_761] : memref<4096xi32, #tpu.memory_space<vmem>> -> memref<128xi32, #tpu.memory_space<vmem>>
    %dma_wait3A_763 = arith.constant 0 : i32
    %dma_wait3A_764 = tpu.memref_slice %arg4[%dma_wait3A_763] : memref<16000000xf32, #tpu.memory_space<hbm>> -> memref<16000000xf32, #tpu.memory_space<hbm>>
    tpu.wait_indirect_dma semaphore(%arg19 : memref<!tpu.dma_semaphore, #tpu.memory_space<semaphore_mem>>) src(%dma_wait3A_760 : memref<128xf32, #tpu.memory_space<vmem>>) dst(%dma_wait3A_764 : memref<16000000xf32, #tpu.memory_space<hbm>>)
    %dma_wait3A_765 = arith.constant 3584 : i32
    %dma_wait3A_766 = tpu.memref_slice %arg13[%dma_wait3A_765] : memref<4096xf32, #tpu.memory_space<vmem>> -> memref<128xf32, #tpu.memory_space<vmem>>
    %dma_wait3A_767 = arith.constant 3584 : i32
    %dma_wait3A_768 = tpu.memref_slice %arg14[%dma_wait3A_767] : memref<4096xi32, #tpu.memory_space<vmem>> -> memref<128xi32, #tpu.memory_space<vmem>>
    %dma_wait3A_769 = arith.constant 0 : i32
    %dma_wait3A_770 = tpu.memref_slice %arg4[%dma_wait3A_769] : memref<16000000xf32, #tpu.memory_space<hbm>> -> memref<16000000xf32, #tpu.memory_space<hbm>>
    tpu.wait_indirect_dma semaphore(%arg20 : memref<!tpu.dma_semaphore, #tpu.memory_space<semaphore_mem>>) src(%dma_wait3A_766 : memref<128xf32, #tpu.memory_space<vmem>>) dst(%dma_wait3A_770 : memref<16000000xf32, #tpu.memory_space<hbm>>)
    %dma_wait3A_771 = arith.constant 3712 : i32
    %dma_wait3A_772 = tpu.memref_slice %arg13[%dma_wait3A_771] : memref<4096xf32, #tpu.memory_space<vmem>> -> memref<128xf32, #tpu.memory_space<vmem>>
    %dma_wait3A_773 = arith.constant 3712 : i32
    %dma_wait3A_774 = tpu.memref_slice %arg14[%dma_wait3A_773] : memref<4096xi32, #tpu.memory_space<vmem>> -> memref<128xi32, #tpu.memory_space<vmem>>
    %dma_wait3A_775 = arith.constant 0 : i32
    %dma_wait3A_776 = tpu.memref_slice %arg4[%dma_wait3A_775] : memref<16000000xf32, #tpu.memory_space<hbm>> -> memref<16000000xf32, #tpu.memory_space<hbm>>
    tpu.wait_indirect_dma semaphore(%arg21 : memref<!tpu.dma_semaphore, #tpu.memory_space<semaphore_mem>>) src(%dma_wait3A_772 : memref<128xf32, #tpu.memory_space<vmem>>) dst(%dma_wait3A_776 : memref<16000000xf32, #tpu.memory_space<hbm>>)
    %dma_wait3A_777 = arith.constant 3840 : i32
    %dma_wait3A_778 = tpu.memref_slice %arg13[%dma_wait3A_777] : memref<4096xf32, #tpu.memory_space<vmem>> -> memref<128xf32, #tpu.memory_space<vmem>>
    %dma_wait3A_779 = arith.constant 3840 : i32
    %dma_wait3A_780 = tpu.memref_slice %arg14[%dma_wait3A_779] : memref<4096xi32, #tpu.memory_space<vmem>> -> memref<128xi32, #tpu.memory_space<vmem>>
    %dma_wait3A_781 = arith.constant 0 : i32
    %dma_wait3A_782 = tpu.memref_slice %arg4[%dma_wait3A_781] : memref<16000000xf32, #tpu.memory_space<hbm>> -> memref<16000000xf32, #tpu.memory_space<hbm>>
    tpu.wait_indirect_dma semaphore(%arg22 : memref<!tpu.dma_semaphore, #tpu.memory_space<semaphore_mem>>) src(%dma_wait3A_778 : memref<128xf32, #tpu.memory_space<vmem>>) dst(%dma_wait3A_782 : memref<16000000xf32, #tpu.memory_space<hbm>>)
    %dma_wait3A_783 = arith.constant 3968 : i32
    %dma_wait3A_784 = tpu.memref_slice %arg13[%dma_wait3A_783] : memref<4096xf32, #tpu.memory_space<vmem>> -> memref<128xf32, #tpu.memory_space<vmem>>
    %dma_wait3A_785 = arith.constant 3968 : i32
    %dma_wait3A_786 = tpu.memref_slice %arg14[%dma_wait3A_785] : memref<4096xi32, #tpu.memory_space<vmem>> -> memref<128xi32, #tpu.memory_space<vmem>>
    %dma_wait3A_787 = arith.constant 0 : i32
    %dma_wait3A_788 = tpu.memref_slice %arg4[%dma_wait3A_787] : memref<16000000xf32, #tpu.memory_space<hbm>> -> memref<16000000xf32, #tpu.memory_space<hbm>>
    tpu.wait_indirect_dma semaphore(%arg23 : memref<!tpu.dma_semaphore, #tpu.memory_space<semaphore_mem>>) src(%dma_wait3A_784 : memref<128xf32, #tpu.memory_space<vmem>>) dst(%dma_wait3A_788 : memref<16000000xf32, #tpu.memory_space<hbm>>)
    return
  }
}

module attributes {stable_mosaic.version = 14 : i64} {
  func.func @_tc_copy_body(%arg0: i32, %arg1: memref<640000xf32, #tpu.memory_space<vmem>>, %arg2: memref<640000xf32, #tpu.memory_space<vmem>>) attributes {dimension_semantics = [#tpu.dimension_semantics<arbitrary>], iteration_bounds = array<i64: 25>, scalar_prefetch = 0 : i64, scratch_operands = 0 : i64, tpu.core_type = #tpu.core_type<tc>, window_params = [{transform_indices = @transform_0, window_bounds = array<i64: 640000>}, {transform_indices = @transform_1, window_bounds = array<i64: 640000>}]} {
    %get3A = arith.constant 0 : index
    %get3A_0 = vector.load %arg1[%get3A] : memref<640000xf32, #tpu.memory_space<vmem>>, vector<640000xf32>
    %swap3A = arith.constant 0 : index
    %swap3A_1 = vector.load %arg2[%swap3A] : memref<640000xf32, #tpu.memory_space<vmem>>, vector<640000xf32>
    tpu.vector_store %arg2[%swap3A], %get3A_0 {strides = array<i32>} : memref<640000xf32, #tpu.memory_space<vmem>>, vector<640000xf32>,
    return
  }
  func.func @transform_0(%arg0: i32) -> i32 {
    %c0_i32 = arith.constant 0 : i32
    return %arg0 : i32
  }
  func.func @transform_1(%arg0: i32) -> i32 {
    %c0_i32 = arith.constant 0 : i32
    return %arg0 : i32
  }
}

</mosaic_0001>

<sc_bundles>
// kernel: kernel.4.cloned.1.call-start
scs
__scs_entry_jumppad:
0x0: {  	(pc) =	sbr.rel $0x88, $3  }
0x1: {  	(tag) =	ssettag $0x0;
	lr =	simm.s32 $0x1  }
0x2: {  	[smem:$0x3F9E] =	sst lr;
	_ =	strace $0xD0000000  }
0x3: {  	_ = 	snop  }
0x4: {  	_ = 	snop  }
0x5: {  	_ = 	snop  }
0x6: {  	_ = 	snop  }
0x7: {  	_ = 	snop  }
__scs_overlays_trampoline_lowered:
0x8: {  	[smem:$0x3FAD] =	sst s0  }
0x9: {  	[smem:$0x3FAE] =	sst s1  }
0xa: {  	[smem:$0x3FAF] =	sst s2  }
0xb: {  	[smem:$0x3FB0] =	sst s3  }
0xc: {  	[smem:$0x3FB1] =	sst s4  }
0xd: {  	[smem:$0x3FB2] =	sst s5  }
0xe: {  	[smem:$0x3FB3] =	sst s6  }
0xf: {  	[smem:$0x3FB4] =	sst s7  }
0x10: {  	[smem:$0x3FB5] =	sst s8  }
0x11: {  	[smem:$0x3FB6] =	sst s9;
	s0 =	simm.s32 @!p0 $0x0  }
0x12: {  	s1 =	sld [smem:$0x3F9C];
	s0 =	simm.s32 @p0 $0x1  }
0x13: {  	[smem:$0x3FB7] =	sst s0;
	s0 =	simm.s32 @!p1 $0x0  }
0x14: {  	s2 =	sld [smem:$0x3F9B];
	s0 =	simm.s32 @p1 $0x1  }
0x15: {  	[smem:$0x3FB8] =	sst s0;
	s0 =	simm.s32 @!p2 $0x0  }
0x16: {  	s3 =	sld [smem:$0x3FDB];
	s0 =	simm.s32 @p2 $0x1  }
0x17: {  	s4 =	simm.s32 $0x1BF5;
	[smem:$0x3FBA] =	sst s0  }
0x18: {  	s0 =	sld [smem:$0x3F9D];
	_ =	swait.ge [sflag:s4], $0x0  }
0x19: {  	s7 =	sld [smem:$0x3F9E]  }
0x1a: {  	s8 =	sadd.s32 $0xFFFFE003, lr  }
0x1b: {  	s9 =	sadd.s32 $0xFFFFFEF7, lr;
	s5 =	simm.s32 $0xFFFFFFFF;
	p2 =	slt.u32 s8, $0xFFFFF086  }
0x1c: {  	p1 =	slt.u32 s9, $0xF7A;
	s5 =	simm.s32 @!p2 $0x0  }
0x1d: {  	s5 =	simm.s32 @p1 $0x1;
	p0 =	seq.s32 s7, s2  }
0x1e: {  	s7 =	smul.u32 @!p0 $0xF7A, s2;
	p2 =	seq.s32 @!p0 s5, $0x0  }
0x1f: {  	s9 =	smul.u32 $0xF7A, s1;
	s8 =	simm.s32 @!p0 $0x1BF5;
	p2 =	por !p2, p0  }
0x20: {  	[sflag:s8] =	ssyncset.s32 @!p0 $0xFFFFF086;
	s6 =	sadd.s32 @!p0 s3, s7;
	s7 =	simm.s32 @!p0 $0x108  }
0x21: {  	s3 =	sadd.s32 s3, s9;
	s6 =	sadd.s32 @!p0 $0x88, s6;
	s7 =	simm.s32 @p2 $0x1082  }
0x22: {  	[simem:s7], [sflag:s8] =	dma.local @!p0 [hbm:s6], $0xF7A  }
0x23: {  	s9 =	sor.u32 $0xD0000000, s2;
	s6 =	simm.s32 $0x108;
	_ =	swait.ge @!p0 [sflag:s8], $0x0  }
0x24: {  	s3 =	sadd.s32 $0x88, s3;
	s6 =	simm.s32 @!p1 $0x1082;
	[sflag:s4] =	ssyncset.s32 $0xFFFFF086  }
0x25: {  	[simem:s6], [sflag:s4] =	dma.local [hbm:s3], $0xF7A  }
0x26: {  	[smem:$0x3F9E] =	sst s1;
	(tag) =	ssettag s2;
	_ =	strace s9  }
0x27: {  	s1 =	sld [smem:$0x3FAE]  }
0x28: {  	s2 =	sld [smem:$0x3FAF]  }
0x29: {  	s4 =	sld [smem:$0x3FB1]  }
0x2a: {  	p0 =	seq.s32 s5, $0x0;
	s5 =	sld [smem:$0x3FB2]  }
0x2b: {  	s6 =	sld [smem:$0x3FB3]  }
0x2c: {  	s7 =	sld [smem:$0x3FB4]  }
0x2d: {  	s3 =	simm.s32 $0x108;
	s8 =	sld [smem:$0x3FB5]  }
0x2e: {  	s3 =	simm.s32 @!p0 $0x1082;
	s9 =	sld [smem:$0x3FB6]  }
0x2f: {  	lr =	sadd.s32 s0, s3;
	s0 =	sld [smem:$0x3FAD]  }
0x30: {  	s3 =	sld [smem:$0x3FB0]  }
0x31: {  	[smem:$0x3FB9] =	sst s10  }
0x32: {  	s10 =	sld [smem:$0x3FB7];
	_ =	sdelay $0x3  }
0x33: {  	p0 =	seq.s32 s10, $0x1;
	s10 =	sld [smem:$0x3FB9];
	_ =	sdelay $0x3  }
0x34: {  	[smem:$0x3FB9] =	sst s10  }
0x35: {  	s10 =	sld [smem:$0x3FB8];
	_ =	sdelay $0x3  }
0x36: {  	p1 =	seq.s32 s10, $0x1;
	s10 =	sld [smem:$0x3FB9];
	_ =	sdelay $0x3  }
0x37: {  	[smem:$0x3FB9] =	sst s10  }
0x38: {  	s10 =	sld [smem:$0x3FBA]  }
0x39: {  	_ = 	snop;
	(pc) =	sbr.ind lr, $3  }
0x3a: {  	_ = 	snop  }
0x3b: {  	_ = 	snop  }
0x3c: {  	p2 =	seq.s32 s10, $0x1;
	s10 =	sld [smem:$0x3FB9]  }
0x3d: {  	_ =	shalt  }
0x3e: {  	_ =	shalt  }
0x3f: {  	_ =	shalt  }
0x40: {  	_ =	shalt  }
0x41: {  	_ =	shalt  }
0x42: {  	_ =	shalt  }
0x43: {  	_ =	shalt  }
0x44: {  	_ =	shalt  }
0x45: {  	_ =	shalt  }
0x46: {  	_ =	shalt  }
0x47: {  	_ =	shalt  }
0x48: {  	_ =	shalt  }
0x49: {  	_ =	shalt  }
0x4a: {  	_ =	shalt  }
0x4b: {  	_ =	shalt  }
0x4c: {  	_ =	shalt  }
0x4d: {  	_ =	shalt  }
0x4e: {  	_ =	shalt  }
0x4f: {  	_ =	shalt  }
0x50: {  	_ =	shalt  }
0x51: {  	_ =	shalt  }
0x52: {  	_ =	shalt  }
0x53: {  	_ =	shalt  }
0x54: {  	_ =	shalt  }
0x55: {  	_ =	shalt  }
0x56: {  	_ =	shalt  }
0x57: {  	_ =	shalt  }
0x58: {  	_ =	shalt  }
0x59: {  	_ =	shalt  }
0x5a: {  	_ =	shalt  }
0x5b: {  	_ =	shalt  }
0x5c: {  	_ =	shalt  }
0x5d: {  	_ =	shalt  }
0x5e: {  	_ =	shalt  }
0x5f: {  	_ =	shalt  }
0x60: {  	_ =	shalt  }
0x61: {  	_ =	shalt  }
0x62: {  	_ =	shalt  }
0x63: {  	_ =	shalt  }
0x64: {  	_ =	shalt  }
0x65: {  	_ =	shalt  }
0x66: {  	_ =	shalt  }
0x67: {  	_ =	shalt  }
0x68: {  	_ =	shalt  }
0x69: {  	_ =	shalt  }
0x6a: {  	_ =	shalt  }
0x6b: {  	_ =	shalt  }
0x6c: {  	_ =	shalt  }
0x6d: {  	_ =	shalt  }
0x6e: {  	_ =	shalt  }
0x6f: {  	_ =	shalt  }
0x70: {  	_ =	shalt  }
0x71: {  	_ =	shalt  }
0x72: {  	_ =	shalt  }
0x73: {  	_ =	shalt  }
0x74: {  	_ =	shalt  }
0x75: {  	_ =	shalt  }
0x76: {  	_ =	shalt  }
0x77: {  	_ =	shalt  }
0x78: {  	_ =	shalt  }
0x79: {  	_ =	shalt  }
0x7a: {  	_ =	shalt  }
0x7b: {  	_ =	shalt  }
0x7c: {  	_ =	shalt  }
0x7d: {  	_ =	shalt  }
0x7e: {  	_ =	shalt  }
0x7f: {  	_ =	shalt  }
0x80: {  	_ =	shalt  }
0x81: {  	_ =	shalt  }
0x82: {  	_ =	shalt  }
0x83: {  	_ =	shalt  }
0x84: {  	_ =	shalt  }
0x85: {  	_ =	shalt  }
0x86: {  	_ =	shalt  }
0x87: {  	_ =	shalt  }
.Lfunc_end0:
.L_simem_size_0:
called_computation.1_lowered:
.L_overlay_start_0:
0x88: {  	s2 =	sld [smem:$0x3FD9]  }
0x89: {  	s3 =	sld [smem:$0x3FFE];
	_ =	sdelay $0x1  }
0x8a: {  	s1 =	srdreg.scid  }
0x8b: {  	s0 =	sand.u32 $0x1, s1  }
0x8c: {  	s17 =	sshll.u32 s0, $0xA;
	s2 =	sadd.s32 s3, s2  }
0x8d: {  	s2 =	sadd.s32 s2, s17  }
0x8e: {  	[smem:$0x3FC5] =	sst s2  }
0x8f: {  	_ = 	snop  }
0x90: {  	s2 =	sld [smem:$0x3FC8]  }
0x91: {  	s18 =	sld [smem:$0x3FD0];
	(tm) =	ssettm $0x1  }
0x92: {  	s4 =	sld [smem:$0x3FFB];
	_ =	sdelay $0x3  }
0x93: {  	_ =	strace s4  }
0x94: {  	s4 =	sld [smem:$0x3FFC];
	_ =	sdelay $0x3  }
0x95: {  	_ =	strace s4  }
0x96: {  	s4 =	sld [smem:$0x3FFD];
	_ =	sdelay $0x3  }
0x97: {  	_ =	strace s4  }
0x98: {  	_ =	strace $0x8FFFFFFF  }
0x99: {  	s19 =	sld [smem:$0x3FDB];
	_ =	sdelay $0x1  }
0x9a: {  	s5 =	simm.s32 $_scs_section_size  }
0x9b: {  	s6 =	simm.s32 $_size__tile_overlayer_lowered;
	s7 =	simm.s32 $_tile_overlayer_lowered  }
0x9c: {  	s22 =	simm.s32 $0x1BFF;
	s21 =	sshll.u32 s7, $0x1;
	s4 =	sadd.s32 s5, s19  }
0x9d: {  	s8 =	simm.s32 $0x0;
	s20 =	sshll.u32 s6, $0x1;
	s6 =	sadd.s32 s21, s4  }
0x9e: {  	[timem:s8], [sflag:s22] =	dma.local [hbm:s6], s20  }
0x9f: {  	_ =	swait.ge [sflag:s22], s20  }
0xa0: {  	s5 =	ssub.s32 $0x0, s20;
	[sflag:s22] =	ssyncset.done $0x0  }
0xa1: {  	[sflag:s22] =	ssyncadd.s32 s5;
	_ =	sdelay $0x1  }
0xa2: {  	s23 =	simm.s32 $0x1B8B  }
0xa3: {  	_ =	swait.ge [sflag:s23], $0x1  }
0xa4: {  	[sflag:s23] =	ssyncset.done $0x0  }
0xa5: {  	s25 =	simm.s32 $0x1B8E;
	s24 =	sld [smem:$0x3FFE];
	[sflag:s23] =	ssyncadd.s32 $0xFFFFFFFF  }
0xa6: {  	s26 =	simm.s32 $execute0_lowered;
	[smem:$0x3FD2] =	sst s25  }
0xa7: {  	s6 =	sshll.u32 s26, $0x1;
	_ =	strace $0x80000046;
	[dreg:$0x1] =	wrdreg $0xFFFFFFFF  }
0xa8: {  	s28 =	simm.s32 $_size_execute0_lowered;
	s4 =	sadd.s32 s4, s6;
	[dreg:$0x0] =	wrdreg $0x0  }
0xa9: {  	s6 =	sshll.u32 s28, $0x1;
	[dreg:$0x2] =	wrdreg s4  }
0xaa: {  	[dreg:$0x3] =	wrdreg s6  }
0xab: {  	[dreg:$0x4] =	wrdreg $0xC0  }
0xac: {  	_ =	task [dreg:s8], $0x5FFFF  }
0xad: {  	[dreg:$0x1] =	wrdreg $0xFFFFFFFF  }
0xae: {  	[dreg:$0x0] =	wrdreg $0x60  }
0xaf: {  	[dreg:$0x2] =	wrdreg s2  }
0xb0: {  	[dreg:$0x3] =	wrdreg s18  }
0xb1: {  	[dreg:$0x4] =	wrdreg s24  }
0xb2: {  	[dreg:$0x5] =	wrdreg $0x0  }
0xb3: {  	[dreg:$0x6] =	wrdreg $0x9  }
0xb4: {  	_ =	task.clear_ibuf [dreg:s8], $0x7FFFF;
	_ =	strace $0x90000046  }
0xb5: {  	s29 =	simm.s32 $0x9;
	_ =	strace $0x80000048  }
0xb6: {  	_ =	swait.ge [sflag:s29], $0x1  }
0xb7: {  	[sflag:s29] =	ssyncadd.s32 $0xFFFFFFFF  }
0xb8: {  	_ =	strace $0x90000048  }
0xb9: {  	_ =	sfence  }
0xba: {  	s30 =	sld [smem:$0x0];
	_ =	sdelay $0x2  }
0xbb: {  	s31 =	sshll.u32 s1, $0xD;
	s1 =	sshrl.u32 s1, $0x2  }
0xbc: {  	s3 =	sand.u32 $0x4000, s31;
	s1 =	sadd.s32 s1, s30  }
0xbd: {  	s0 =	sor.u32 s3, s0;
	s1 =	sshll.u32 s1, $0x11  }
0xbe: {  	s0 =	sor.u32 s1, s0  }
0xbf: {  	s0 =	sadd.s32 $0x8F2B, s0  }
0xc0: {  	[sflag:s0] =	ssyncadd.remote.s32 $0x1  }
0xc1: {  	_ =	sfence.sel $0xFFFF  }
0xc2: {  	[dreg:$0x0] =	wrdreg $0xFFFFFFFF;
	(pc) =	sbr.abs _section_cstart, $3  }
0xc3: {  	[dreg:$0x1] =	wrdreg $0xFFFFFFFF  }
0xc4: {  	_ =	task.clear_ibuf [dreg:s8], $0x2FFFF;
	_ =	strace $0x9FFFFFFF  }
0xc5: {  	(tm) =	ssettm $0x7FFFFFFF  }
tec
execute0_lowered:
.L_overlay_start_1:
0x0: {  	(tag) =	ssettag $0x1  }
0x1: {  	s0 =	rddreg [dreg:$0x1]  }
0x2: {  	s1 =	rddreg [dreg:$0x2]  }
0x3: {  	s2 =	rddreg [dreg:$0x3]  }
0x4: {  	s3 =	simm.s32 $0x0;
	s4 =	srdreg.scid;
	s11 =	stileid.u32  }
0x5: {  	s10 =	simm.s32 $0x1100;
	s13 =	simm.s32 $0x1;
	s12 =	simm.s32 $0xD998  }
0x6: {  	s14 =	simm.s32 $0xEA18;
	s15 =	simm.s32 $0xDA18;
	s16 =	simm.s32 $0xEA98  }
0x7: {  	s17 =	simm.s32 $0xDA98;
	s18 =	simm.s32 $0x2;
	s19 =	simm.s32 $0x3  }
0x8: {  	s20 =	simm.s32 $0x4;
	s23 =	simm.s32 $0x7;
	s24 =	simm.s32 $0x8  }
0x9: {  	v0 =	vimm.s32 $0xFFEDCBA9;
	v1 =	vimm.s32 $0x87654321;
	s25 =	simm.s32 $0x9;
	s26 =	simm.s32 $0x0;
	[smem:$0x7FF] =	sst s3  }
0xa: {  	s6 =	sand.u32 $0x1, s4;
	s8 =	sshll.u32 s11, $0xA;
	s9 =	smul.u32 $0xF4240, s11;
	v0 =	vunpack.c.l.s4.s8 v0;
	v1 =	vunpack.c.l.s4.s8 v1  }
0xb: {  	s21 =	smul.u32 $0x7A12, s11;
	p0 =	sne.s32 s11, $0x0;
	s11 =	simm.s32 $0x80  }
0xc: {  	_ =	strace $0x80000047;
	s5 =	ssub.s32 $0x2, s6;
	s4 =	sshll.u32 s6, $0x9;
	v0 =	vunpack.c.0.s8.s32 v0;
	v1 =	vunpack.c.0.s8.s32 v1  }
0xd: {  	s7 =	sshrl.u32 s5, $0x1;
	s0 =	sadd.s32 s0, s4;
	s4 =	sadd.s32 $0xA00, s1  }
0xe: {  	s22 =	sor.u32 s6, s9;
	s9 =	simm.s32 $0xDB18;
	s31 =	ssub.s32 s5, s7;
	v3 =	vcombine.low v1, v0  }
0xf: {  	v2 =	vlaneseq.u32;
	vm0 =	vcmask $0x3F3C;
	v4 =	vimm.s32 $0x0;
	s5 =	sadd.s32 s8, s0;
	s7 =	simm.s32 $0xA;
	s8 =	simm.s32 $0xBB18  }
0x10: {  	s6 =	smax.u32 s31, $0x1;
	v0 =	vmov s21;
	v1 =	vmov s22;
	s21 =	simm.s32 $0x5;
	s22 =	simm.s32 $0x6;
	v3 =	vand.u32 $0xF, v3  }
.LBB2_1:
0x11: {  	s0 =	simm.s32 $0x100;
	s1 =	rddreg [dreg:$0x0]  }
0x12: {  	[tilespmem:s0], [sflag:$0xA] =	stream.linear.gather [hbm4b:s1+s3], $0x1000, $0x38;
	[tilespmem:$0xEB18] =	vst v63  }
0x13: {  	_ =	swait.ge [sflag:s7], $0x1000  }
0x14: {  	[sflag:s7] =	ssyncset.done $0x0  }
0x15: {  	[sflag:s7] =	ssyncadd.s32 $0xFFFFF000  }
0x16: {  	[tilespmem:s8], [sflag:$0xA] =	stream.linear.gather [hbm4b:s5+s3], $0x1000, $0x38;
	[tilespmem:$0xEB18] =	vst v63  }
0x17: {  	_ =	swait.ge [sflag:s7], $0x1000  }
0x18: {  	[sflag:s7] =	ssyncset.done $0x0  }
0x19: {  	s28 =	simm.s32 $0x0;
	s1 =	simm.s32 $0x100;
	[sflag:s7] =	ssyncadd.s32 $0xFFFFF000  }
.LBB2_2:
0x1a: {  	v5 =	vld [tilespmem:s1+$0x0];
	_ =	sdelay $0x4  }
0x1b: {  	v5 =	vshll.u32 v5, $0xC  }
0x1c: {  	v5 =	vadd.s32 s28, v5  }
0x1d: {  	v5 =	vadd.s32 v2, v5  }
0x1e: {  	v6 =	vxor.u32 $0x80000000, v5  }
0x1f: {  	(xrf1) =	vsort.ascd.msk.u32 $0xffff, v6, v5;
	_ =	sdelay $0xd  }
0x20: {  	v5, _, _ =	vpop (xrf1)  }
0x21: {  	v6 =	vshra.s32 v5, $0xC  }
0x22: {  	v6 =	vxor.u32 $0xFFF80000, v6  }
0x23: {  	[tilespmem:$0xDB18] =	vst v6  }
0x24: {  	v7 =	vld.idx.msk [tilespmem:v3+s9+$0x0], $0xffff;
	_ =	sdelay $0x4  }
0x25: {  	v8 =	vsub.s32 v6, v0;
	vm1 =	vne.s32 v6, v7  }
0x26: {  	vm2 =	vlt.u32 v8, $0x7A12;
	vm1 =	vmor vm1, vm0  }
0x27: {  	vm1 =	vmand vm1, vm2  }
0x28: {  	p1 =	sne.s32 s28, $0xFF0;
	v6 =	vnsel vm2, $0x0, v8  }
.Ltmp0:
0x29: {  	_ = 	snop;
	(pc) =	sbr.rel @p1 .LBB2_2-.Ltmp0, $3  }
0x2a: {  	_ =	sdelay $0x1  }
0x2b: {  	v5 =	vand.u32 $0xFFF, v5  }
0x2c: {  	s1 =	sadd.s32 $0x10, s1;
	s28 =	sadd.s32 $0x10, s28;
	[tilespmem:v6+s10+$0x0] =	vst.idx.msk vm1, v5  }
0x2d: {  	v5 =	vld [tilespmem:s0+$0x0];
	_ =	sdelay $0x4  }
0x2e: {  	v5 =	vsub.s32 v5, v0  }
0x2f: {  	vm1 =	vlt.u32 v5, $0x7A12  }
0x30: {  	v5 =	vnsel vm1, $0x0, v5;
	_ =	sdelay $0x4  }
0x31: {  	v5 =	vld.idx.msk [tilespmem:v5+s10+$0x0], vm1;
	_ =	sdelay $0x4  }
0x32: {  	s28 =	simm.s32 $0x8B18;
	v5 =	vnsel vm1, $0x0, v5  }
0x33: {  	s1 =	simm.s32 $0x0;
	s30 =	simm.s32 $0xAB18;
	[tilespmem:s28+$0x0] =	vst v5  }
0x34: {  	s29 =	simm.s32 $0x9B18;
	v5 =	vor.u32 s1, v2;
	[tilespmem:s30+$0x0] =	vst v4  }
0x35: {  	s0 =	simm.s32 $0x110;
	[tilespmem:s29+$0x0] =	vst v5  }
0x36: {  	v5 =	vld [tilespmem:s0+$0x0];
	_ =	sdelay $0x1  }
0x37: {  	s31 =	simm.s32 $0x10;
	s1 =	simm.s32 $0x20  }
.LBB2_4:
0x38: {  	p1 =	sne.s32 s1, $0xFF0;
	_ =	sdelay $0x1  }
0x39: {  	v5 =	vsub.s32 v5, v0  }
0x3a: {  	vm1 =	vlt.u32 v5, $0x7A12  }
0x3b: {  	v5 =	vnsel vm1, $0x0, v5;
	_ =	sdelay $0x4  }
0x3c: {  	v5 =	vld.idx.msk [tilespmem:v5+s10+$0x0], vm1;
	_ =	sdelay $0x5  }
0x3d: {  	s28 =	sadd.s32 $0x10, s28;
	v5 =	vnsel vm1, $0x0, v5  }
0x3e: {  	s30 =	sadd.s32 $0x10, s30;
	[tilespmem:s28+$0x0] =	vst v5  }
.Ltmp1:
0x3f: {  	s29 =	sadd.s32 $0x10, s29;
	v5 =	vor.u32 s31, v2;
	s31 =	smov.u32 s1;
	[tilespmem:s30+$0x0] =	vst v4;
	(pc) =	sbr.rel @p1 .LBB2_4-.Ltmp1, $3  }
0x40: {  	s0 =	sadd.s32 $0x10, s0;
	[tilespmem:s29+$0x0] =	vst v5  }
0x41: {  	v5 =	vld [tilespmem:s0+$0x0];
	_ =	sdelay $0x1  }
0x42: {  	s1 =	sadd.s32 $0x10, s1  }
0x43: {  	_ =	sdelay $0x1  }
0x44: {  	v5 =	vsub.s32 v5, v0  }
0x45: {  	vm1 =	vlt.u32 v5, $0x7A12  }
0x46: {  	v5 =	vnsel vm1, $0x0, v5;
	_ =	sdelay $0x4  }
0x47: {  	v5 =	vld.idx.msk [tilespmem:v5+s10+$0x0], vm1;
	_ =	sdelay $0x4  }
0x48: {  	s0 =	sadd.s32 $0x10, s28;
	v5 =	vnsel vm1, $0x0, v5  }
0x49: {  	s1 =	sadd.s32 $0x10, s30;
	[tilespmem:s0+$0x0] =	vst v5  }
0x4a: {  	s30 =	sadd.s32 $0x10, s29;
	v5 =	vor.u32 s31, v2;
	[tilespmem:s1+$0x0] =	vst v4  }
0x4b: {  	s0 =	simm.s32 @!p0 $0xAB18;
	[tilespmem:s30+$0x0] =	vst v5  }
0x4c: {  	[spmem:s2] =	stream.linear.scatter @!p0 [tilespmem:s0], [sflag:$0xA], $0x1000, $0x38;
	[tilespmem:$0xEB18] =	vst v63  }
0x4d: {  	s0 =	simm.s32 @!p0 $0xA  }
0x4e: {  	_ =	swait.ge @!p0 [sflag:s0], $0x1000  }
0x4f: {  	[sflag:s0] =	ssyncset.done @!p0 $0x0  }
0x50: {  	[sflag:s0] =	ssyncadd.s32 @!p0 $0xFFFFF000  }
0x51: {  	s31 =	simm.s32 $0x9B18;
	s1 =	simm.s32 $0x8B18;
	[bflag:$0x0] =	sbarrier.arrive $0xFFFF  }
0x52: {  	[spmem:s2] =	stream.indirect.scatter.add.s32 [tilespmem:s1], [sflag:$0x1], $0x1, s31, s11, $0xb8;
	[tilespmem:$0xEB18] =	vst v63  }
0x53: {  	s29 =	simm.s32 $0x8B98;
	s1 =	simm.s32 $0x9B98  }
0x54: {  	[spmem:s2] =	stream.indirect.scatter.add.s32 [tilespmem:s29], [sflag:$0x1], $0x1, s1, s11, $0xb8;
	[tilespmem:$0xEB18] =	vst v63  }
0x55: {  	s30 =	simm.s32 $0x9C18;
	s31 =	simm.s32 $0x8C18  }
0x56: {  	[spmem:s2] =	stream.indirect.scatter.add.s32 [tilespmem:s31], [sflag:$0x1], $0x1, s30, s11, $0xb8;
	[tilespmem:$0xEB18] =	vst v63  }
0x57: {  	s1 =	simm.s32 $0x9C98;
	s29 =	simm.s32 $0x8C98  }
0x58: {  	[spmem:s2] =	stream.indirect.scatter.add.s32 [tilespmem:s29], [sflag:$0x1], $0x1, s1, s11, $0xb8;
	[tilespmem:$0xEB18] =	vst v63  }
0x59: {  	s30 =	simm.s32 $0x9D18;
	s31 =	simm.s32 $0x8D18  }
0x5a: {  	[spmem:s2] =	stream.indirect.scatter.add.s32 [tilespmem:s31], [sflag:$0x1], $0x1, s30, s11, $0xb8;
	[tilespmem:$0xEB18] =	vst v63  }
0x5b: {  	s1 =	simm.s32 $0x9D98;
	s29 =	simm.s32 $0x8D98  }
0x5c: {  	[spmem:s2] =	stream.indirect.scatter.add.s32 [tilespmem:s29], [sflag:$0x1], $0x1, s1, s11, $0xb8;
	[tilespmem:$0xEB18] =	vst v63  }
0x5d: {  	s30 =	simm.s32 $0x9E18;
	s31 =	simm.s32 $0x8E18  }
0x5e: {  	[spmem:s2] =	stream.indirect.scatter.add.s32 [tilespmem:s31], [sflag:$0x1], $0x1, s30, s11, $0xb8;
	[tilespmem:$0xEB18] =	vst v63  }
0x5f: {  	s1 =	simm.s32 $0x9E98;
	s29 =	simm.s32 $0x8E98  }
0x60: {  	[spmem:s2] =	stream.indirect.scatter.add.s32 [tilespmem:s29], [sflag:$0x1], $0x1, s1, s11, $0xb8;
	[tilespmem:$0xEB18] =	vst v63  }
0x61: {  	s30 =	simm.s32 $0x9F18;
	s31 =	simm.s32 $0x8F18  }
0x62: {  	[spmem:s2] =	stream.indirect.scatter.add.s32 [tilespmem:s31], [sflag:$0x1], $0x1, s30, s11, $0xb8;
	[tilespmem:$0xEB18] =	vst v63  }
0x63: {  	s1 =	simm.s32 $0x9F98;
	s29 =	simm.s32 $0x8F98  }
0x64: {  	[spmem:s2] =	stream.indirect.scatter.add.s32 [tilespmem:s29], [sflag:$0x1], $0x1, s1, s11, $0xb8;
	[tilespmem:$0xEB18] =	vst v63  }
0x65: {  	s30 =	simm.s32 $0xA018;
	s31 =	simm.s32 $0x9018  }
0x66: {  	[spmem:s2] =	stream.indirect.scatter.add.s32 [tilespmem:s31], [sflag:$0x1], $0x1, s30, s11, $0xb8;
	[tilespmem:$0xEB18] =	vst v63  }
0x67: {  	s1 =	simm.s32 $0xA098;
	s29 =	simm.s32 $0x9098  }
0x68: {  	[spmem:s2] =	stream.indirect.scatter.add.s32 [tilespmem:s29], [sflag:$0x1], $0x1, s1, s11, $0xb8;
	[tilespmem:$0xEB18] =	vst v63  }
0x69: {  	s30 =	simm.s32 $0xA118;
	s31 =	simm.s32 $0x9118  }
0x6a: {  	[spmem:s2] =	stream.indirect.scatter.add.s32 [tilespmem:s31], [sflag:$0x1], $0x1, s30, s11, $0xb8;
	[tilespmem:$0xEB18] =	vst v63  }
0x6b: {  	s1 =	simm.s32 $0xA198;
	s29 =	simm.s32 $0x9198  }
0x6c: {  	[spmem:s2] =	stream.indirect.scatter.add.s32 [tilespmem:s29], [sflag:$0x1], $0x1, s1, s11, $0xb8;
	[tilespmem:$0xEB18] =	vst v63  }
0x6d: {  	s30 =	simm.s32 $0xA218;
	s31 =	simm.s32 $0x9218  }
0x6e: {  	[spmem:s2] =	stream.indirect.scatter.add.s32 [tilespmem:s31], [sflag:$0x1], $0x1, s30, s11, $0xb8;
	[tilespmem:$0xEB18] =	vst v63  }
0x6f: {  	s1 =	simm.s32 $0xA298;
	s29 =	simm.s32 $0x9298  }
0x70: {  	[spmem:s2] =	stream.indirect.scatter.add.s32 [tilespmem:s29], [sflag:$0x1], $0x1, s1, s11, $0xb8;
	[tilespmem:$0xEB18] =	vst v63  }
0x71: {  	s30 =	simm.s32 $0xA318;
	s31 =	simm.s32 $0x9318  }
0x72: {  	[spmem:s2] =	stream.indirect.scatter.add.s32 [tilespmem:s31], [sflag:$0x1], $0x1, s30, s11, $0xb8;
	[tilespmem:$0xEB18] =	vst v63  }
0x73: {  	s1 =	simm.s32 $0xA398;
	s29 =	simm.s32 $0x9398  }
0x74: {  	[spmem:s2] =	stream.indirect.scatter.add.s32 [tilespmem:s29], [sflag:$0x1], $0x1, s1, s11, $0xb8;
	[tilespmem:$0xEB18] =	vst v63  }
0x75: {  	s30 =	simm.s32 $0xA418;
	s31 =	simm.s32 $0x9418  }
0x76: {  	[spmem:s2] =	stream.indirect.scatter.add.s32 [tilespmem:s31], [sflag:$0x1], $0x1, s30, s11, $0xb8;
	[tilespmem:$0xEB18] =	vst v63  }
0x77: {  	s1 =	simm.s32 $0xA498;
	s29 =	simm.s32 $0x9498  }
0x78: {  	[spmem:s2] =	stream.indirect.scatter.add.s32 [tilespmem:s29], [sflag:$0x1], $0x1, s1, s11, $0xb8;
	[tilespmem:$0xEB18] =	vst v63  }
0x79: {  	s30 =	simm.s32 $0xA518;
	s31 =	simm.s32 $0x9518  }
0x7a: {  	[spmem:s2] =	stream.indirect.scatter.add.s32 [tilespmem:s31], [sflag:$0x1], $0x1, s30, s11, $0xb8;
	[tilespmem:$0xEB18] =	vst v63  }
0x7b: {  	s1 =	simm.s32 $0xA598;
	s29 =	simm.s32 $0x9598  }
0x7c: {  	[spmem:s2] =	stream.indirect.scatter.add.s32 [tilespmem:s29], [sflag:$0x1], $0x1, s1, s11, $0xb8;
	[tilespmem:$0xEB18] =	vst v63  }
0x7d: {  	s30 =	simm.s32 $0xA618;
	s31 =	simm.s32 $0x9618  }
0x7e: {  	[spmem:s2] =	stream.indirect.scatter.add.s32 [tilespmem:s31], [sflag:$0x1], $0x1, s30, s11, $0xb8;
	[tilespmem:$0xEB18] =	vst v63  }
0x7f: {  	s1 =	simm.s32 $0xA698;
	s29 =	simm.s32 $0x9698  }
0x80: {  	[spmem:s2] =	stream.indirect.scatter.add.s32 [tilespmem:s29], [sflag:$0x1], $0x1, s1, s11, $0xb8;
	[tilespmem:$0xEB18] =	vst v63  }
0x81: {  	s30 =	simm.s32 $0xA718;
	s31 =	simm.s32 $0x9718  }
0x82: {  	[spmem:s2] =	stream.indirect.scatter.add.s32 [tilespmem:s31], [sflag:$0x1], $0x1, s30, s11, $0xb8;
	[tilespmem:$0xEB18] =	vst v63  }
0x83: {  	s1 =	simm.s32 $0xA798;
	s29 =	simm.s32 $0x9798  }
0x84: {  	[spmem:s2] =	stream.indirect.scatter.add.s32 [tilespmem:s29], [sflag:$0x1], $0x1, s1, s11, $0xb8;
	[tilespmem:$0xEB18] =	vst v63  }
0x85: {  	s30 =	simm.s32 $0xA818;
	s31 =	simm.s32 $0x9818  }
0x86: {  	[spmem:s2] =	stream.indirect.scatter.add.s32 [tilespmem:s31], [sflag:$0x1], $0x1, s30, s11, $0xb8;
	[tilespmem:$0xEB18] =	vst v63  }
0x87: {  	s1 =	simm.s32 $0xA898;
	s29 =	simm.s32 $0x9898  }
0x88: {  	[spmem:s2] =	stream.indirect.scatter.add.s32 [tilespmem:s29], [sflag:$0x1], $0x1, s1, s11, $0xb8;
	[tilespmem:$0xEB18] =	vst v63  }
0x89: {  	s30 =	simm.s32 $0xA918;
	s31 =	simm.s32 $0x9918  }
0x8a: {  	[spmem:s2] =	stream.indirect.scatter.add.s32 [tilespmem:s31], [sflag:$0x1], $0x1, s30, s11, $0xb8;
	[tilespmem:$0xEB18] =	vst v63  }
0x8b: {  	s1 =	simm.s32 $0xA998;
	s29 =	simm.s32 $0x9998  }
0x8c: {  	[spmem:s2] =	stream.indirect.scatter.add.s32 [tilespmem:s29], [sflag:$0x1], $0x1, s1, s11, $0xb8;
	[tilespmem:$0xEB18] =	vst v63  }
0x8d: {  	s30 =	simm.s32 $0xAA18;
	s31 =	simm.s32 $0x9A18  }
0x8e: {  	[spmem:s2] =	stream.indirect.scatter.add.s32 [tilespmem:s31], [sflag:$0x1], $0x1, s30, s11, $0xb8;
	[tilespmem:$0xEB18] =	vst v63  }
0x8f: {  	s29 =	simm.s32 $0xAA98;
	s30 =	simm.s32 $0x9A98  }
0x90: {  	[spmem:s2] =	stream.indirect.scatter.add.s32 [tilespmem:s30], [sflag:$0x1], $0x1, s29, s11, $0xb8;
	[tilespmem:$0xEB18] =	vst v63  }
0x91: {  	_ =	swait.ge [sflag:s13], $0x80  }
0x92: {  	[sflag:s13] =	ssyncset.done $0x0  }
0x93: {  	[sflag:s13] =	ssyncadd.s32 $0xFFFFFF80  }
0x94: {  	_ =	swait.ge [sflag:s13], $0x80  }
0x95: {  	[sflag:s13] =	ssyncset.done $0x0  }
0x96: {  	[sflag:s13] =	ssyncadd.s32 $0xFFFFFF80  }
0x97: {  	_ =	swait.ge [sflag:s13], $0x80  }
0x98: {  	[sflag:s13] =	ssyncset.done $0x0  }
0x99: {  	[sflag:s13] =	ssyncadd.s32 $0xFFFFFF80  }
0x9a: {  	_ =	swait.ge [sflag:s13], $0x80  }
0x9b: {  	[sflag:s13] =	ssyncset.done $0x0  }
0x9c: {  	[sflag:s13] =	ssyncadd.s32 $0xFFFFFF80  }
0x9d: {  	_ =	swait.ge [sflag:s13], $0x80  }
0x9e: {  	[sflag:s13] =	ssyncset.done $0x0  }
0x9f: {  	[sflag:s13] =	ssyncadd.s32 $0xFFFFFF80  }
0xa0: {  	_ =	swait.ge [sflag:s13], $0x80  }
0xa1: {  	[sflag:s13] =	ssyncset.done $0x0  }
0xa2: {  	[sflag:s13] =	ssyncadd.s32 $0xFFFFFF80  }
0xa3: {  	_ =	swait.ge [sflag:s13], $0x80  }
0xa4: {  	[sflag:s13] =	ssyncset.done $0x0  }
0xa5: {  	[sflag:s13] =	ssyncadd.s32 $0xFFFFFF80  }
0xa6: {  	_ =	swait.ge [sflag:s13], $0x80  }
0xa7: {  	[sflag:s13] =	ssyncset.done $0x0  }
0xa8: {  	[sflag:s13] =	ssyncadd.s32 $0xFFFFFF80  }
0xa9: {  	_ =	swait.ge [sflag:s13], $0x80  }
0xaa: {  	[sflag:s13] =	ssyncset.done $0x0  }
0xab: {  	[sflag:s13] =	ssyncadd.s32 $0xFFFFFF80  }
0xac: {  	_ =	swait.ge [sflag:s13], $0x80  }
0xad: {  	[sflag:s13] =	ssyncset.done $0x0  }
0xae: {  	[sflag:s13] =	ssyncadd.s32 $0xFFFFFF80  }
0xaf: {  	_ =	swait.ge [sflag:s13], $0x80  }
0xb0: {  	[sflag:s13] =	ssyncset.done $0x0  }
0xb1: {  	[sflag:s13] =	ssyncadd.s32 $0xFFFFFF80  }
0xb2: {  	_ =	swait.ge [sflag:s13], $0x80  }
0xb3: {  	[sflag:s13] =	ssyncset.done $0x0  }
0xb4: {  	[sflag:s13] =	ssyncadd.s32 $0xFFFFFF80  }
0xb5: {  	_ =	swait.ge [sflag:s13], $0x80  }
0xb6: {  	[sflag:s13] =	ssyncset.done $0x0  }
0xb7: {  	[sflag:s13] =	ssyncadd.s32 $0xFFFFFF80  }
0xb8: {  	_ =	swait.ge [sflag:s13], $0x80  }
0xb9: {  	[sflag:s13] =	ssyncset.done $0x0  }
0xba: {  	[sflag:s13] =	ssyncadd.s32 $0xFFFFFF80  }
0xbb: {  	_ =	swait.ge [sflag:s13], $0x80  }
0xbc: {  	[sflag:s13] =	ssyncset.done $0x0  }
0xbd: {  	[sflag:s13] =	ssyncadd.s32 $0xFFFFFF80  }
0xbe: {  	_ =	swait.ge [sflag:s13], $0x80  }
0xbf: {  	[sflag:s13] =	ssyncset.done $0x0  }
0xc0: {  	[sflag:s13] =	ssyncadd.s32 $0xFFFFFF80  }
0xc1: {  	_ =	swait.ge [sflag:s13], $0x80  }
0xc2: {  	[sflag:s13] =	ssyncset.done $0x0  }
0xc3: {  	[sflag:s13] =	ssyncadd.s32 $0xFFFFFF80  }
0xc4: {  	_ =	swait.ge [sflag:s13], $0x80  }
0xc5: {  	[sflag:s13] =	ssyncset.done $0x0  }
0xc6: {  	[sflag:s13] =	ssyncadd.s32 $0xFFFFFF80  }
0xc7: {  	_ =	swait.ge [sflag:s13], $0x80  }
0xc8: {  	[sflag:s13] =	ssyncset.done $0x0  }
0xc9: {  	[sflag:s13] =	ssyncadd.s32 $0xFFFFFF80  }
0xca: {  	_ =	swait.ge [sflag:s13], $0x80  }
0xcb: {  	[sflag:s13] =	ssyncset.done $0x0  }
0xcc: {  	[sflag:s13] =	ssyncadd.s32 $0xFFFFFF80  }
0xcd: {  	_ =	swait.ge [sflag:s13], $0x80  }
0xce: {  	[sflag:s13] =	ssyncset.done $0x0  }
0xcf: {  	[sflag:s13] =	ssyncadd.s32 $0xFFFFFF80  }
0xd0: {  	_ =	swait.ge [sflag:s13], $0x80  }
0xd1: {  	[sflag:s13] =	ssyncset.done $0x0  }
0xd2: {  	[sflag:s13] =	ssyncadd.s32 $0xFFFFFF80  }
0xd3: {  	_ =	swait.ge [sflag:s13], $0x80  }
0xd4: {  	[sflag:s13] =	ssyncset.done $0x0  }
0xd5: {  	[sflag:s13] =	ssyncadd.s32 $0xFFFFFF80  }
0xd6: {  	_ =	swait.ge [sflag:s13], $0x80  }
0xd7: {  	[sflag:s13] =	ssyncset.done $0x0  }
0xd8: {  	[sflag:s13] =	ssyncadd.s32 $0xFFFFFF80  }
0xd9: {  	_ =	swait.ge [sflag:s13], $0x80  }
0xda: {  	[sflag:s13] =	ssyncset.done $0x0  }
0xdb: {  	[sflag:s13] =	ssyncadd.s32 $0xFFFFFF80  }
0xdc: {  	_ =	swait.ge [sflag:s13], $0x80  }
0xdd: {  	[sflag:s13] =	ssyncset.done $0x0  }
0xde: {  	[sflag:s13] =	ssyncadd.s32 $0xFFFFFF80  }
0xdf: {  	_ =	swait.ge [sflag:s13], $0x80  }
0xe0: {  	[sflag:s13] =	ssyncset.done $0x0  }
0xe1: {  	[sflag:s13] =	ssyncadd.s32 $0xFFFFFF80  }
0xe2: {  	_ =	swait.ge [sflag:s13], $0x80  }
0xe3: {  	[sflag:s13] =	ssyncset.done $0x0  }
0xe4: {  	[sflag:s13] =	ssyncadd.s32 $0xFFFFFF80  }
0xe5: {  	_ =	swait.ge [sflag:s13], $0x80  }
0xe6: {  	[sflag:s13] =	ssyncset.done $0x0  }
0xe7: {  	[sflag:s13] =	ssyncadd.s32 $0xFFFFFF80  }
0xe8: {  	_ =	swait.ge [sflag:s13], $0x80  }
0xe9: {  	[sflag:s13] =	ssyncset.done $0x0  }
0xea: {  	[sflag:s13] =	ssyncadd.s32 $0xFFFFFF80  }
0xeb: {  	_ =	swait.ge [sflag:s13], $0x80  }
0xec: {  	[sflag:s13] =	ssyncset.done $0x0  }
0xed: {  	[sflag:s13] =	ssyncadd.s32 $0xFFFFFF80  }
0xee: {  	_ =	swait.ge [sflag:s13], $0x80  }
0xef: {  	[sflag:s13] =	ssyncset.done $0x0  }
0xf0: {  	[sflag:s13] =	ssyncadd.s32 $0xFFFFFF80  }
0xf1: {  	s31 =	simm.s32 $0xAB18;
	[bflag:$0x0] =	sbarrier.arrive $0xFFFF  }
0xf2: {  	[tilespmem:s31], [sflag:$0xA] =	stream.linear.gather [spmem:s2], $0x1000, $0x38;
	[tilespmem:$0xEB18] =	vst v63  }
0xf3: {  	_ =	swait.ge [sflag:s7], $0x1000  }
0xf4: {  	[sflag:s7] =	ssyncset.done $0x0  }
0xf5: {  	s0 =	simm.s32 $0x0;
	[sflag:s7] =	ssyncadd.s32 $0xFFFFF000  }
0xf6: {  	v5 =	vld [tilespmem:s0+$0xAB18]  }
0xf7: {  	v6 =	vld [tilespmem:s0+$0x100];
	_ =	sdelay $0x4  }
0xf8: {  	v6 =	vshll.u32 v6, $0x1  }
0xf9: {  	v6 =	vadd.s32 v1, v6  }
0xfa: {  	s28 =	simm.s32 $0x80;
	s1 =	simm.s32 $0x10;
	v5 =	vld.idx.msk [tilespmem:v5+s8+$0x0], $0xffff;
	[tilespmem:s0+$0xDB18] =	vst v6  }
.LBB2_6:
0xfb: {  	p1 =	sne.s32 s28, $0x3FC0;
	v6 =	vld [tilespmem:s1+$0xAB18]  }
0xfc: {  	v7 =	vld [tilespmem:s1+$0x100];
	_ =	sdelay $0x2  }
.Ltmp2:
0xfd: {  	(pc) =	sbr.rel @p1 .LBB2_6-.Ltmp2, $4  }
0xfe: {  	[tilespmem:s0+$0xCB18] =	vst v5;
	s0 =	smov.u32 s1  }
0xff: {  	v5 =	vshll.u32 v7, $0x1  }
0x100: {  	v7 =	vadd.s32 v1, v5  }
0x101: {  	s1 =	sshra.s32 s28, $0x2;
	s28 =	sadd.s32 $0x40, s28;
	v5 =	vld.idx.msk [tilespmem:v6+s8+$0x0], $0xffff;
	[tilespmem:s0+$0xDB18] =	vst v7  }
0x102: {  	v6 =	vld [tilespmem:s1+$0xAB18];
	_ =	sdelay $0x4  }
0x103: {  	v7 =	vld [tilespmem:s1+$0x100];
	_ =	sdelay $0x1  }
0x104: {  	[tilespmem:s0+$0xCB18] =	vst v5  }
0x105: {  	v5 =	vld.idx.msk [tilespmem:v6+s8+$0x0], $0xffff;
	_ =	sdelay $0x1  }
0x106: {  	v6 =	vshll.u32 v7, $0x1  }
0x107: {  	v6 =	vadd.s32 v1, v6  }
0x108: {  	[tilespmem:s1+$0xDB18] =	vst v6  }
0x109: {  	[tilespmem:s1+$0xCB18] =	vst v5;
	s1 =	simm.s32 $0xCB18  }
0x10a: {  	[hbm4b:s4+s11] =	stream.indirect.scatter [tilespmem:s1], [sflag:$0x2], $0x1, s9, s11, $0xb8;
	[tilespmem:$0xEB18] =	vst v63  }
0x10b: {  	s28 =	simm.s32 $0xDB98;
	s29 =	simm.s32 $0xCB98  }
0x10c: {  	[hbm4b:s4+s11] =	stream.indirect.scatter [tilespmem:s29], [sflag:$0x3], $0x1, s28, s11, $0xb8;
	[tilespmem:$0xEB18] =	vst v63  }
0x10d: {  	s30 =	simm.s32 $0xDC18;
	s31 =	simm.s32 $0xCC18  }
0x10e: {  	[hbm4b:s4+s11] =	stream.indirect.scatter [tilespmem:s31], [sflag:$0x4], $0x1, s30, s11, $0xb8;
	[tilespmem:$0xEB18] =	vst v63  }
0x10f: {  	s28 =	simm.s32 $0xDC98;
	s29 =	simm.s32 $0xCC98  }
0x110: {  	[hbm4b:s4+s11] =	stream.indirect.scatter [tilespmem:s29], [sflag:$0x5], $0x1, s28, s11, $0xb8;
	[tilespmem:$0xEB18] =	vst v63  }
0x111: {  	s30 =	simm.s32 $0xDD18;
	s31 =	simm.s32 $0xCD18  }
0x112: {  	[hbm4b:s4+s11] =	stream.indirect.scatter [tilespmem:s31], [sflag:$0x6], $0x1, s30, s11, $0xb8;
	[tilespmem:$0xEB18] =	vst v63  }
0x113: {  	s28 =	simm.s32 $0xDD98;
	s29 =	simm.s32 $0xCD98  }
0x114: {  	[hbm4b:s4+s11] =	stream.indirect.scatter [tilespmem:s29], [sflag:$0x7], $0x1, s28, s11, $0xb8;
	[tilespmem:$0xEB18] =	vst v63  }
0x115: {  	s30 =	simm.s32 $0xDE18;
	s31 =	simm.s32 $0xCE18  }
0x116: {  	[hbm4b:s4+s11] =	stream.indirect.scatter [tilespmem:s31], [sflag:$0x8], $0x1, s30, s11, $0xb8;
	[tilespmem:$0xEB18] =	vst v63  }
0x117: {  	s28 =	simm.s32 $0xDE98;
	s29 =	simm.s32 $0xCE98  }
0x118: {  	[hbm4b:s4+s11] =	stream.indirect.scatter [tilespmem:s29], [sflag:$0x9], $0x1, s28, s11, $0xb8;
	[tilespmem:$0xEB18] =	vst v63  }
0x119: {  	s30 =	simm.s32 $0xDF18;
	s31 =	simm.s32 $0xCF18  }
0x11a: {  	[hbm4b:s4+s11] =	stream.indirect.scatter [tilespmem:s31], [sflag:$0x2], $0x1, s30, s11, $0xb8;
	[tilespmem:$0xEB18] =	vst v63  }
0x11b: {  	s28 =	simm.s32 $0xDF98;
	s29 =	simm.s32 $0xCF98  }
0x11c: {  	[hbm4b:s4+s11] =	stream.indirect.scatter [tilespmem:s29], [sflag:$0x3], $0x1, s28, s11, $0xb8;
	[tilespmem:$0xEB18] =	vst v63  }
0x11d: {  	s30 =	simm.s32 $0xE018;
	s31 =	simm.s32 $0xD018  }
0x11e: {  	[hbm4b:s4+s11] =	stream.indirect.scatter [tilespmem:s31], [sflag:$0x4], $0x1, s30, s11, $0xb8;
	[tilespmem:$0xEB18] =	vst v63  }
0x11f: {  	s28 =	simm.s32 $0xE098;
	s29 =	simm.s32 $0xD098  }
0x120: {  	[hbm4b:s4+s11] =	stream.indirect.scatter [tilespmem:s29], [sflag:$0x5], $0x1, s28, s11, $0xb8;
	[tilespmem:$0xEB18] =	vst v63  }
0x121: {  	s30 =	simm.s32 $0xE118;
	s31 =	simm.s32 $0xD118  }
0x122: {  	[hbm4b:s4+s11] =	stream.indirect.scatter [tilespmem:s31], [sflag:$0x6], $0x1, s30, s11, $0xb8;
	[tilespmem:$0xEB18] =	vst v63  }
0x123: {  	s28 =	simm.s32 $0xE198;
	s29 =	simm.s32 $0xD198  }
0x124: {  	[hbm4b:s4+s11] =	stream.indirect.scatter [tilespmem:s29], [sflag:$0x7], $0x1, s28, s11, $0xb8;
	[tilespmem:$0xEB18] =	vst v63  }
0x125: {  	s30 =	simm.s32 $0xE218;
	s31 =	simm.s32 $0xD218  }
0x126: {  	[hbm4b:s4+s11] =	stream.indirect.scatter [tilespmem:s31], [sflag:$0x8], $0x1, s30, s11, $0xb8;
	[tilespmem:$0xEB18] =	vst v63  }
0x127: {  	s28 =	simm.s32 $0xE298;
	s29 =	simm.s32 $0xD298  }
0x128: {  	[hbm4b:s4+s11] =	stream.indirect.scatter [tilespmem:s29], [sflag:$0x9], $0x1, s28, s11, $0xb8;
	[tilespmem:$0xEB18] =	vst v63  }
0x129: {  	s30 =	simm.s32 $0xE318;
	s31 =	simm.s32 $0xD318  }
0x12a: {  	[hbm4b:s4+s11] =	stream.indirect.scatter [tilespmem:s31], [sflag:$0x2], $0x1, s30, s11, $0xb8;
	[tilespmem:$0xEB18] =	vst v63  }
0x12b: {  	s28 =	simm.s32 $0xE398;
	s29 =	simm.s32 $0xD398  }
0x12c: {  	[hbm4b:s4+s11] =	stream.indirect.scatter [tilespmem:s29], [sflag:$0x3], $0x1, s28, s11, $0xb8;
	[tilespmem:$0xEB18] =	vst v63  }
0x12d: {  	s30 =	simm.s32 $0xE418;
	s31 =	simm.s32 $0xD418  }
0x12e: {  	[hbm4b:s4+s11] =	stream.indirect.scatter [tilespmem:s31], [sflag:$0x4], $0x1, s30, s11, $0xb8;
	[tilespmem:$0xEB18] =	vst v63  }
0x12f: {  	s28 =	simm.s32 $0xE498;
	s29 =	simm.s32 $0xD498  }
0x130: {  	[hbm4b:s4+s11] =	stream.indirect.scatter [tilespmem:s29], [sflag:$0x5], $0x1, s28, s11, $0xb8;
	[tilespmem:$0xEB18] =	vst v63  }
0x131: {  	s30 =	simm.s32 $0xE518;
	s31 =	simm.s32 $0xD518  }
0x132: {  	[hbm4b:s4+s11] =	stream.indirect.scatter [tilespmem:s31], [sflag:$0x6], $0x1, s30, s11, $0xb8;
	[tilespmem:$0xEB18] =	vst v63  }
0x133: {  	s28 =	simm.s32 $0xE598;
	s29 =	simm.s32 $0xD598  }
0x134: {  	[hbm4b:s4+s11] =	stream.indirect.scatter [tilespmem:s29], [sflag:$0x7], $0x1, s28, s11, $0xb8;
	[tilespmem:$0xEB18] =	vst v63  }
0x135: {  	s30 =	simm.s32 $0xE618;
	s31 =	simm.s32 $0xD618  }
0x136: {  	[hbm4b:s4+s11] =	stream.indirect.scatter [tilespmem:s31], [sflag:$0x8], $0x1, s30, s11, $0xb8;
	[tilespmem:$0xEB18] =	vst v63  }
0x137: {  	s28 =	simm.s32 $0xE698;
	s29 =	simm.s32 $0xD698  }
0x138: {  	[hbm4b:s4+s11] =	stream.indirect.scatter [tilespmem:s29], [sflag:$0x9], $0x1, s28, s11, $0xb8;
	[tilespmem:$0xEB18] =	vst v63  }
0x139: {  	s30 =	simm.s32 $0xE718;
	s31 =	simm.s32 $0xD718  }
0x13a: {  	[hbm4b:s4+s11] =	stream.indirect.scatter [tilespmem:s31], [sflag:$0x2], $0x1, s30, s11, $0xb8;
	[tilespmem:$0xEB18] =	vst v63  }
0x13b: {  	s28 =	simm.s32 $0xE798;
	s29 =	simm.s32 $0xD798  }
0x13c: {  	[hbm4b:s4+s11] =	stream.indirect.scatter [tilespmem:s29], [sflag:$0x3], $0x1, s28, s11, $0xb8;
	[tilespmem:$0xEB18] =	vst v63  }
0x13d: {  	s30 =	simm.s32 $0xE818;
	s31 =	simm.s32 $0xD818  }
0x13e: {  	[hbm4b:s4+s11] =	stream.indirect.scatter [tilespmem:s31], [sflag:$0x4], $0x1, s30, s11, $0xb8;
	[tilespmem:$0xEB18] =	vst v63  }
0x13f: {  	s1 =	simm.s32 $0xE898;
	s28 =	simm.s32 $0xD898  }
0x140: {  	[hbm4b:s4+s11] =	stream.indirect.scatter [tilespmem:s28], [sflag:$0x5], $0x1, s1, s11, $0xb8;
	[tilespmem:$0xEB18] =	vst v63  }
0x141: {  	s29 =	simm.s32 $0xE918;
	s30 =	simm.s32 $0xD918  }
0x142: {  	[hbm4b:s4+s11] =	stream.indirect.scatter [tilespmem:s30], [sflag:$0x6], $0x1, s29, s11, $0xb8;
	[tilespmem:$0xEB18] =	vst v63  }
0x143: {  	s31 =	simm.s32 $0xE998  }
0x144: {  	[hbm4b:s4+s11] =	stream.indirect.scatter [tilespmem:s12], [sflag:$0x7], $0x1, s31, s11, $0xb8;
	[tilespmem:$0xEB18] =	vst v63  }
0x145: {  	_ = 	snop  }
0x146: {  	[hbm4b:s4+s11] =	stream.indirect.scatter [tilespmem:s15], [sflag:$0x8], $0x1, s14, s11, $0xb8;
	[tilespmem:$0xEB18] =	vst v63  }
0x147: {  	_ = 	snop  }
0x148: {  	[hbm4b:s4+s11] =	stream.indirect.scatter [tilespmem:s17], [sflag:$0x9], $0x1, s16, s11, $0xb8;
	[tilespmem:$0xEB18] =	vst v63  }
0x149: {  	_ =	swait.ge [sflag:s18], $0x80  }
0x14a: {  	[sflag:s18] =	ssyncset.done $0x0  }
0x14b: {  	[sflag:s18] =	ssyncadd.s32 $0xFFFFFF80  }
0x14c: {  	_ =	swait.ge [sflag:s19], $0x80  }
0x14d: {  	[sflag:s19] =	ssyncset.done $0x0  }
0x14e: {  	[sflag:s19] =	ssyncadd.s32 $0xFFFFFF80  }
0x14f: {  	_ =	swait.ge [sflag:s20], $0x80  }
0x150: {  	[sflag:s20] =	ssyncset.done $0x0  }
0x151: {  	[sflag:s20] =	ssyncadd.s32 $0xFFFFFF80  }
0x152: {  	_ =	swait.ge [sflag:s21], $0x80  }
0x153: {  	[sflag:s21] =	ssyncset.done $0x0  }
0x154: {  	[sflag:s21] =	ssyncadd.s32 $0xFFFFFF80  }
0x155: {  	_ =	swait.ge [sflag:s22], $0x80  }
0x156: {  	[sflag:s22] =	ssyncset.done $0x0  }
0x157: {  	[sflag:s22] =	ssyncadd.s32 $0xFFFFFF80  }
0x158: {  	_ =	swait.ge [sflag:s23], $0x80  }
0x159: {  	[sflag:s23] =	ssyncset.done $0x0  }
0x15a: {  	[sflag:s23] =	ssyncadd.s32 $0xFFFFFF80  }
0x15b: {  	_ =	swait.ge [sflag:s24], $0x80  }
0x15c: {  	[sflag:s24] =	ssyncset.done $0x0  }
0x15d: {  	[sflag:s24] =	ssyncadd.s32 $0xFFFFFF80  }
0x15e: {  	_ =	swait.ge [sflag:s25], $0x80  }
0x15f: {  	[sflag:s25] =	ssyncset.done $0x0  }
0x160: {  	[sflag:s25] =	ssyncadd.s32 $0xFFFFFF80  }
0x161: {  	_ =	swait.ge [sflag:s18], $0x80  }
0x162: {  	[sflag:s18] =	ssyncset.done $0x0  }
0x163: {  	[sflag:s18] =	ssyncadd.s32 $0xFFFFFF80  }
0x164: {  	_ =	swait.ge [sflag:s19], $0x80  }
0x165: {  	[sflag:s19] =	ssyncset.done $0x0  }
0x166: {  	[sflag:s19] =	ssyncadd.s32 $0xFFFFFF80  }
0x167: {  	_ =	swait.ge [sflag:s20], $0x80  }
0x168: {  	[sflag:s20] =	ssyncset.done $0x0  }
0x169: {  	[sflag:s20] =	ssyncadd.s32 $0xFFFFFF80  }
0x16a: {  	_ =	swait.ge [sflag:s21], $0x80  }
0x16b: {  	[sflag:s21] =	ssyncset.done $0x0  }
0x16c: {  	[sflag:s21] =	ssyncadd.s32 $0xFFFFFF80  }
0x16d: {  	_ =	swait.ge [sflag:s22], $0x80  }
0x16e: {  	[sflag:s22] =	ssyncset.done $0x0  }
0x16f: {  	[sflag:s22] =	ssyncadd.s32 $0xFFFFFF80  }
0x170: {  	_ =	swait.ge [sflag:s23], $0x80  }
0x171: {  	[sflag:s23] =	ssyncset.done $0x0  }
0x172: {  	[sflag:s23] =	ssyncadd.s32 $0xFFFFFF80  }
0x173: {  	_ =	swait.ge [sflag:s24], $0x80  }
0x174: {  	[sflag:s24] =	ssyncset.done $0x0  }
0x175: {  	[sflag:s24] =	ssyncadd.s32 $0xFFFFFF80  }
0x176: {  	_ =	swait.ge [sflag:s25], $0x80  }
0x177: {  	[sflag:s25] =	ssyncset.done $0x0  }
0x178: {  	[sflag:s25] =	ssyncadd.s32 $0xFFFFFF80  }
0x179: {  	_ =	swait.ge [sflag:s18], $0x80  }
0x17a: {  	[sflag:s18] =	ssyncset.done $0x0  }
0x17b: {  	[sflag:s18] =	ssyncadd.s32 $0xFFFFFF80  }
0x17c: {  	_ =	swait.ge [sflag:s19], $0x80  }
0x17d: {  	[sflag:s19] =	ssyncset.done $0x0  }
0x17e: {  	[sflag:s19] =	ssyncadd.s32 $0xFFFFFF80  }
0x17f: {  	_ =	swait.ge [sflag:s20], $0x80  }
0x180: {  	[sflag:s20] =	ssyncset.done $0x0  }
0x181: {  	[sflag:s20] =	ssyncadd.s32 $0xFFFFFF80  }
0x182: {  	_ =	swait.ge [sflag:s21], $0x80  }
0x183: {  	[sflag:s21] =	ssyncset.done $0x0  }
0x184: {  	[sflag:s21] =	ssyncadd.s32 $0xFFFFFF80  }
0x185: {  	_ =	swait.ge [sflag:s22], $0x80  }
0x186: {  	[sflag:s22] =	ssyncset.done $0x0  }
0x187: {  	[sflag:s22] =	ssyncadd.s32 $0xFFFFFF80  }
0x188: {  	_ =	swait.ge [sflag:s23], $0x80  }
0x189: {  	[sflag:s23] =	ssyncset.done $0x0  }
0x18a: {  	[sflag:s23] =	ssyncadd.s32 $0xFFFFFF80  }
0x18b: {  	_ =	swait.ge [sflag:s24], $0x80  }
0x18c: {  	[sflag:s24] =	ssyncset.done $0x0  }
0x18d: {  	[sflag:s24] =	ssyncadd.s32 $0xFFFFFF80  }
0x18e: {  	_ =	swait.ge [sflag:s25], $0x80  }
0x18f: {  	[sflag:s25] =	ssyncset.done $0x0  }
0x190: {  	[sflag:s25] =	ssyncadd.s32 $0xFFFFFF80  }
0x191: {  	_ =	swait.ge [sflag:s18], $0x80  }
0x192: {  	[sflag:s18] =	ssyncset.done $0x0  }
0x193: {  	[sflag:s18] =	ssyncadd.s32 $0xFFFFFF80  }
0x194: {  	_ =	swait.ge [sflag:s19], $0x80  }
0x195: {  	[sflag:s19] =	ssyncset.done $0x0  }
0x196: {  	[sflag:s19] =	ssyncadd.s32 $0xFFFFFF80  }
0x197: {  	_ =	swait.ge [sflag:s20], $0x80  }
0x198: {  	[sflag:s20] =	ssyncset.done $0x0  }
0x199: {  	[sflag:s20] =	ssyncadd.s32 $0xFFFFFF80  }
0x19a: {  	_ =	swait.ge [sflag:s21], $0x80  }
0x19b: {  	[sflag:s21] =	ssyncset.done $0x0  }
0x19c: {  	[sflag:s21] =	ssyncadd.s32 $0xFFFFFF80  }
0x19d: {  	_ =	swait.ge [sflag:s22], $0x80  }
0x19e: {  	[sflag:s22] =	ssyncset.done $0x0  }
0x19f: {  	[sflag:s22] =	ssyncadd.s32 $0xFFFFFF80  }
0x1a0: {  	_ =	swait.ge [sflag:s23], $0x80  }
0x1a1: {  	[sflag:s23] =	ssyncset.done $0x0  }
0x1a2: {  	s26 =	sadd.s32 $0x1, s26;
	[sflag:s23] =	ssyncadd.s32 $0xFFFFFF80  }
0x1a3: {  	p1 =	sne.s32 s26, s6;
	_ =	swait.ge [sflag:s24], $0x80  }
.Ltmp3:
0x1a4: {  	[sflag:s24] =	ssyncset.done $0x0;
	(pc) =	sbr.rel @p1 .LBB2_1-.Ltmp3, $4  }
0x1a5: {  	[sflag:s24] =	ssyncadd.s32 $0xFFFFFF80  }
0x1a6: {  	_ =	swait.ge [sflag:s25], $0x80  }
0x1a7: {  	[sflag:s25] =	ssyncset.done $0x0  }
0x1a8: {  	[sflag:s25] =	ssyncadd.s32 $0xFFFFFF80  }
0x1a9: {  	_ =	sfence.sel $0x180000  }
0x1aa: {  	[bflag:$0x0] =	sbarrier.arrive $0xFFFF  }
0x1ab: {  	_ =	strace $0x90000047  }
0x1ac: {  	[bflag:$0x2] =	sbarrier.arrive $0xFFFF  }
0x1ad: {  	s0 =	rddreg [dreg:$0x4]  }
0x1ae: {  	s0 =	sadd.s32 @!p0 $0x100000, s0  }
0x1af: {  	[sflag:s0] =	ssyncadd.tile.s32 @!p0 $0x1;
	_ =	shalt  }
.Lfunc_end2:
_tile_overlayer_lowered:
.L_overlay_start_2:
0x1b0: {  	(tag) =	ssettag $0x2  }
0x1b1: {  	s0 =	rddreg [dreg:$0x0];
	s2 =	stileid.u32  }
0x1b2: {  	s1 =	rddreg [dreg:$0x1];
	p0 =	sne.s32 s2, $0x0  }
0x1b3: {  	s3 =	rddreg [dreg:$0x2];
	[bflag:$0x3] =	sbarrier.arrive $0xFFFF;
	s2 =	simm.s32 @!p0 $0x1C0A  }
0x1b4: {  	[timem:s3], [sflag:s2] =	dma.local @!p0 [hbm:s0], s1  }
0x1b5: {  	s0 =	simm.s32 @!p0 $0xA  }
0x1b6: {  	_ =	swait.ge @!p0 [sflag:s0], s1  }
0x1b7: {  	s1 =	ssub.s32 @!p0 $0x0, s1;
	[sflag:s0] =	ssyncset.done @!p0 $0x0  }
0x1b8: {  	[sflag:s0] =	ssyncadd.s32 @!p0 s1  }
0x1b9: {  	[bflag:$0x3] =	sbarrier.arrive $0xFFFF  }
0x1ba: {  	_ =	shalt  }

// kernel: sparse-core-data-format-call.cloned.1.call-start
scs
called_computation_lowered:
.L_overlay_start_0:
0x0: {  	s2 =	sld [smem:$0x3FD9]  }
0x1: {  	s3 =	sld [smem:$0x3FFE];
	_ =	sdelay $0x1  }
0x2: {  	s1 =	srdreg.scid  }
0x3: {  	s0 =	sand.u32 $0x1, s1  }
0x4: {  	s18 =	sshll.u32 s0, $0xA;
	s2 =	sadd.s32 s3, s2  }
0x5: {  	s2 =	sadd.s32 s2, s18  }
0x6: {  	[smem:$0x3FC5] =	sst s2  }
0x7: {  	_ = 	snop  }
0x8: {  	s2 =	sld [smem:$0x3FD0];
	(tm) =	ssettm $0x1  }
0x9: {  	s19 =	sld [smem:$0x3FFB];
	_ =	sdelay $0x3  }
0xa: {  	_ =	strace s19  }
0xb: {  	s3 =	sld [smem:$0x3FFC];
	_ =	sdelay $0x3  }
0xc: {  	_ =	strace s3  }
0xd: {  	s3 =	sld [smem:$0x3FFD];
	_ =	sdelay $0x3  }
0xe: {  	_ =	strace s3  }
0xf: {  	_ =	strace $0x8FFFFFFF  }
0x10: {  	s20 =	sld [smem:$0x3FDB];
	_ =	sdelay $0x1  }
0x11: {  	s4 =	simm.s32 $_scs_section_size  }
0x12: {  	s5 =	simm.s32 $_size__tile_overlayer_lowered;
	s6 =	simm.s32 $_tile_overlayer_lowered  }
0x13: {  	s23 =	simm.s32 $0x1BFF;
	s22 =	sshll.u32 s6, $0x1;
	s3 =	sadd.s32 s4, s20  }
0x14: {  	s7 =	simm.s32 $0x0;
	s21 =	sshll.u32 s5, $0x1;
	s5 =	sadd.s32 s22, s3  }
0x15: {  	[timem:s7], [sflag:s23] =	dma.local [hbm:s5], s21  }
0x16: {  	_ =	swait.ge [sflag:s23], s21  }
0x17: {  	s4 =	ssub.s32 $0x0, s21;
	[sflag:s23] =	ssyncset.done $0x0  }
0x18: {  	[sflag:s23] =	ssyncadd.s32 s4;
	_ =	sdelay $0x1  }
0x19: {  	s24 =	simm.s32 $0x1B8B  }
0x1a: {  	_ =	swait.ge [sflag:s24], $0x1  }
0x1b: {  	[sflag:s24] =	ssyncset.done $0x0  }
0x1c: {  	s26 =	simm.s32 $0x1B8E;
	s25 =	sld [smem:$0x3FFE];
	[sflag:s24] =	ssyncadd.s32 $0xFFFFFFFF  }
0x1d: {  	s27 =	simm.s32 $execute0_lowered;
	[smem:$0x3FD2] =	sst s26  }
0x1e: {  	s5 =	sshll.u32 s27, $0x1;
	_ =	strace $0x80000049;
	[dreg:$0x1] =	wrdreg $0xFFFFFFFF  }
0x1f: {  	s28 =	simm.s32 $_size_execute0_lowered;
	s3 =	sadd.s32 s3, s5;
	[dreg:$0x0] =	wrdreg $0x0  }
0x20: {  	s5 =	sshll.u32 s28, $0x1;
	[dreg:$0x2] =	wrdreg s3  }
0x21: {  	[dreg:$0x3] =	wrdreg s5  }
0x22: {  	[dreg:$0x4] =	wrdreg $0xC0  }
0x23: {  	_ =	task [dreg:s7], $0x5FFFF  }
0x24: {  	[dreg:$0x1] =	wrdreg $0xFFFFFFFF  }
0x25: {  	[dreg:$0x0] =	wrdreg $0x60  }
0x26: {  	[dreg:$0x2] =	wrdreg s25  }
0x27: {  	[dreg:$0x3] =	wrdreg s2  }
0x28: {  	[dreg:$0x4] =	wrdreg $0x9  }
0x29: {  	_ =	task.clear_ibuf [dreg:s7], $0x5FFFF;
	_ =	strace $0x90000049  }
0x2a: {  	s29 =	simm.s32 $0x9;
	_ =	strace $0x8000004B  }
0x2b: {  	_ =	swait.ge [sflag:s29], $0x1  }
0x2c: {  	[sflag:s29] =	ssyncadd.s32 $0xFFFFFFFF  }
0x2d: {  	_ =	strace $0x9000004B  }
0x2e: {  	_ =	sfence  }
0x2f: {  	s30 =	sld [smem:$0x0];
	_ =	sdelay $0x2  }
0x30: {  	s31 =	sshll.u32 s1, $0xD;
	s1 =	sshrl.u32 s1, $0x2  }
0x31: {  	s3 =	sand.u32 $0x4000, s31;
	s1 =	sadd.s32 s1, s30  }
0x32: {  	s0 =	sor.u32 s3, s0;
	s1 =	sshll.u32 s1, $0x11  }
0x33: {  	s0 =	sor.u32 s1, s0  }
0x34: {  	s0 =	sadd.s32 $0x8F2B, s0  }
0x35: {  	[sflag:s0] =	ssyncadd.remote.s32 $0x1  }
0x36: {  	_ =	sfence.sel $0xFFFF  }
0x37: {  	[dreg:$0x0] =	wrdreg $0xFFFFFFFF;
	(pc) =	sbr.abs _section_cstart, $3  }
0x38: {  	[dreg:$0x1] =	wrdreg $0xFFFFFFFF  }
0x39: {  	_ =	task.clear_ibuf [dreg:s7], $0x2FFFF;
	_ =	strace $0x9FFFFFFF  }
0x3a: {  	(tm) =	ssettm $0x7FFFFFFF  }
0x3b: {  	_ =	shalt  }
tec
execute0_lowered:
.L_overlay_start_1:
0x0: {  	(tag) =	ssettag $0x1  }
0x1: {  	s1 =	rddreg [dreg:$0x0]  }
0x2: {  	s2 =	rddreg [dreg:$0x1]  }
0x3: {  	s3 =	srdreg.scid;
	s0 =	rddreg [dreg:$0x2];
	_ =	strace $0x8000004A  }
0x4: {  	s5 =	simm.s32 $0x1;
	s7 =	simm.s32 $0x2;
	s14 =	simm.s32 $0x0  }
0x5: {  	s8 =	simm.s32 $0xF4300;
	s15 =	simm.s32 $0x0;
	s9 =	simm.s32 $0x0  }
.Ltmp0:
0x6: {  	s11 =	simm.s32 $0x0;
	s4 =	sshll.u32 s3, $0x7;
	(pc) =	sbr.rel .LBB1_1-.Ltmp0, $4  }
0x7: {  	s12 =	stileid.u32;
	s13 =	simm.s32 $0x0;
	s4 =	sand.u32 $0x80, s4  }
0x8: {  	s23 =	simm.s32 $0x0;
	s3 =	sadd.s32 $0x1E9000, s1;
	s6 =	ssub.s32 $0x7A100, s4  }
0x9: {  	s1 =	stileid.u32;
	[sflag:s5] =	ssyncpa.u1 $0x0;
	s6 =	sshrl.u32 s6, $0x8  }
0xa: {  	[sflag:s7] =	ssyncpa.u1 $0x0;
	s10 =	smov.u32 s4;
	s7 =	sor.u32 $0x2, s6  }
.LBB1_7:
0xb: {  	s19 =	sshll.u32 s9, $0x1  }
0xc: {  	p0 =	sgt.s32 s9, $0x7A100;
	s20 =	smov.u32 s9;
	s19 =	sand.u32 $0xFFFFFF00, s19  }
0xd: {  	s20 =	simm.s32 @!p0 $0x7A100;
	s21 =	sshrl.u32 s19, $0x7  }
0xe: {  	s17 =	sadd.s32 s17, s20;
	s21 =	smulhi.u32 $0x10C6249, s21  }
0xf: {  	s27 =	smul.u32 $0x1E860, s11;
	s20 =	sadd.s32 $0xFFF85F00, s17  }
0x10: {  	s17 =	ssub.s32 $0x7A180, s17;
	p0 =	sgt.s32 s20, $0x7F;
	s21 =	sshrl.u32 s21, $0x4  }
0x11: {  	s17 =	simm.s32 @p0 $0x0;
	s22 =	smul.u32 $0x7A180, s21  }
0x12: {  	s25 =	sand.u32 $0x7F, s9;
	s18 =	sor.u32 $0x2000, s18;
	s16 =	smul.u32 s17, s16  }
0x13: {  	s19 =	sor.u32 s25, s19;
	s20 =	simm.s32 $0xF430;
	s28 =	sand.u32 $0x1, s21  }
0x14: {  	p0 =	seq.s32 s28, $0x1;
	s26 =	ssub.s32 s19, s22;
	s16 =	sshll.u32 s16, $0x1  }
0x15: {  	s20 =	simm.s32 @!p0 $0x0;
	s19 =	sadd.s32 s2, s27;
	s29 =	sand.u32 $0x7, s26  }
0x16: {  	s17 =	sshrl.u32 s26, $0x3;
	s19 =	sadd.s32 s20, s19;
	s30 =	sshll.u32 s29, $0x12  }
0x17: {  	s16 =	sand.u32 $0x3FFFFFFE, s16;
	s17 =	sadd.s32 s17, s19;
	s31 =	sor.u32 $0x100, s30  }
0x18: {  	[hbm4b:s17+s31] =	stream.strided.scatter [tilespmem:s18], [sflag:$0x2], s16, s8, s31, $0x20;
	[tilespmem:$0x4040] =	vst v63  }
.LBB1_8:
0x19: {  	p0 =	slt.u32 s13, $0x2  }
0x1a: {  	p1 =	sgt.s32 @!p0 s15, $0xF  }
0x1b: {  	s16 =	smov.u32 s15;
	s17 =	sshra.s32 @!p0 s15, $0x1F;
	p1 =	por !p1, p0  }
0x1c: {  	s18 =	sshra.s32 @!p0 s14, $0x1F;
	s16 =	simm.s32 @p1 $0xF;
	p1 =	sgt.s32 @!p0 s14, $0x7A100  }
0x1d: {  	s15 =	sand.u32 @!p0 s17, s15;
	s17 =	smov.u32 s14;
	p1 =	por !p1, p0  }
0x1e: {  	s14 =	sand.u32 @!p0 s18, s14;
	s15 =	ssub.s32 @!p0 s16, s15;
	s17 =	simm.s32 @p1 $0x7A100  }
0x1f: {  	s15 =	sadd.s32 @!p0 $0xFFFFFFF1, s15;
	s14 =	ssub.s32 @!p0 s17, s14  }
0x20: {  	s18 =	smov.u32 s12;
	s16 =	sshll.u32 @!p0 s15, $0x1;
	s17 =	sadd.s32 @!p0 $0xFFF85F00, s14  }
0x21: {  	p1 =	sgt.s32 @!p0 s15, $0x0;
	s15 =	ssub.s32 @!p0 $0x2, s16;
	p2 =	sgt.s32 @!p0 s17, $0x7F  }
0x22: {  	p1 =	por !p1, p0;
	s14 =	ssub.s32 @!p0 $0x7A180, s14;
	p2 =	por !p2, p0  }
0x23: {  	s16 =	sadd.s32 $0x100, s10;
	s15 =	simm.s32 @!p1 $0x0;
	s14 =	simm.s32 @!p2 $0x0  }
0x24: {  	p1 =	sgt.s32 s16, $0x7A11F;
	s14 =	smul.u32 @!p0 s14, s15;
	s15 =	sadd.s32 $0x10, s12  }
0x25: {  	s18 =	smov.u32 @p1 s15  }
0x26: {  	s16 =	smov.u32 @p1 s4;
	p1 =	sgt.s32 s18, $0xF  }
0x27: {  	s18 =	smov.u32 @p1 s1;
	p1 =	sne.s32 s13, s7  }
.Ltmp1:
0x28: {  	s17 =	simm.s32 @!p0 $0x2;
	(pc) =	sbr.rel @!p1 .LBB1_9-.Ltmp1, $4  }
0x29: {  	s15 =	smov.u32 s11;
	s11 =	smov.u32 s12;
	s14 =	sand.u32 @!p0 $0x3FFFFFFE, s14  }
0x2a: {  	_ =	swait.ge @!p0 [sflag:s17], s14;
	s19 =	ssub.s32 @!p0 $0x0, s14;
	s14 =	smov.u32 s9  }
0x2b: {  	s13 =	sadd.s32 $0x1, s13;
	s9 =	smov.u32 s10;
	[sflag:s17] =	ssyncset.done @!p0 $0x0  }
0x2c: {  	s10 =	smov.u32 s16;
	s12 =	smov.u32 s18;
	[sflag:s17] =	ssyncadd.s32 @!p0 s19  }
.LBB1_1:
0x2d: {  	p0 =	sgt.u32 s13, s6  }
0x2e: {  	s18 =	smov.u32 s12;
	s20 =	smov.u32 s10;
	p1 =	sgt.s32 @!p0 s12, $0xF  }
0x2f: {  	s16 =	sand.u32 @!p0 $0x1FFFFFF, s10;
	s19 =	sshra.s32 @!p0 s12, $0x1F;
	p1 =	por !p1, p0  }
0x30: {  	s21 =	sshra.s32 @!p0 s10, $0x1F;
	s18 =	simm.s32 @p1 $0xF;
	p1 =	sgt.s32 @!p0 s10, $0x7A0A0  }
0x31: {  	s17 =	smulhi.u32 @!p0 $0x218DEF5, s16;
	s19 =	sand.u32 @!p0 s19, s12;
	p1 =	por !p1, p0  }
0x32: {  	s18 =	ssub.s32 @!p0 s18, s19;
	s19 =	sand.u32 @!p0 s21, s10;
	s20 =	simm.s32 @p1 $0x7A0A0  }
0x33: {  	s18 =	sadd.s32 @!p0 $0xFFFFFFF1, s18;
	s19 =	ssub.s32 @!p0 s20, s19  }
0x34: {  	s17 =	sshrl.u32 @!p0 s17, $0xC;
	p1 =	sgt.s32 @!p0 s18, $0x0;
	s20 =	sadd.s32 @!p0 $0xFFF85F60, s19  }
0x35: {  	s18 =	sshll.u32 @!p0 s18, $0x5;
	s19 =	ssub.s32 @!p0 $0x7A120, s19;
	p2 =	sgt.s32 @!p0 s20, $0x7F  }
0x36: {  	s18 =	ssub.s32 @!p0 $0x20, s18;
	p1 =	por !p1, p0;
	p2 =	por !p2, p0  }
0x37: {  	s17 =	smul.u32 @!p0 $0x7A120, s17;
	s18 =	simm.s32 @!p1 $0x0;
	s19 =	simm.s32 @!p2 $0x0  }
0x38: {  	s20 =	sxor.u32 @!p0 $0xFFFFFFFF, s13;
	s18 =	smul.u32 @!p0 s19, s18  }
0x39: {  	s16 =	ssub.s32 @!p0 s16, s17;
	s19 =	sshll.u32 @!p0 s20, $0xC;
	s20 =	smul.u32 @!p0 $0x7A1200, s12  }
0x3a: {  	s16 =	sshll.u32 @!p0 s16, $0x4  }
0x3b: {  	s19 =	sand.u32 @!p0 $0x1000, s19;
	s17 =	sand.u32 @!p0 $0x3FFFFFE0, s18;
	s18 =	sadd.s32 @!p0 s3, s20  }
0x3c: {  	s20 =	simm.s32 @!p0 $0x80;
	s16 =	sadd.s32 @!p0 s16, s18;
	s18 =	simm.s32 @!p0 $0x20  }
0x3d: {  	[tilespmem:s19], [sflag:$0x1] =	stream.strided.gather @!p0 [hbm4b:s16+s18], s17, s20, s18, $0x38;
	[tilespmem:$0x4040] =	vst v63  }
0x3e: {  	p0 =	seq.s32 s13, $0x0  }
0x3f: {  	p1 =	sge.u32 @!p0 s13, s7  }
0x40: {  	p0 =	por p0, p1  }
.Ltmp2:
0x41: {  	_ = 	snop;
	(pc) =	sbr.rel @p0 .LBB1_8-.Ltmp2, $1  }
0x42: {  	_ =	sdelay $0x3  }
0x43: {  	p0 =	sgt.s32 s11, $0xF  }
0x44: {  	s16 =	smov.u32 s11;
	s17 =	sshra.s32 s11, $0x1F;
	s18 =	ssub.s32 $0x0, s9  }
0x45: {  	s19 =	sshra.s32 s9, $0x1F;
	s16 =	simm.s32 @!p0 $0xF;
	s17 =	sand.u32 s17, s11  }
0x46: {  	s20 =	smov.u32 s9;
	p0 =	sgt.s32 s9, $0x7A0A0;
	s16 =	ssub.s32 s16, s17  }
0x47: {  	s17 =	sand.u32 s18, s19;
	s20 =	simm.s32 @!p0 $0x7A0A0;
	s30 =	sadd.s32 $0xFFFFFFF1, s16  }
0x48: {  	s19 =	sadd.s32 s17, s20;
	s16 =	ssub.s32 $0x10, s16;
	p0 =	sgt.s32 s30, $0x0  }
0x49: {  	s31 =	sadd.s32 $0xFFF85F60, s19;
	s18 =	ssub.s32 $0x7A120, s19;
	s19 =	sadd.s32 $0x1, s11  }
0x4a: {  	s20 =	sadd.s32 $0x80, s9;
	s16 =	simm.s32 @p0 $0x0;
	p0 =	slt.s32 s19, $0x10  }
0x4b: {  	s19 =	simm.s32 @!p0 $0x10;
	p0 =	slt.s32 s20, $0x7A120  }
0x4c: {  	p1 =	sgt.s32 s31, $0x7F;
	s19 =	ssub.s32 s19, s11;
	s20 =	simm.s32 @!p0 $0x7A120  }
0x4d: {  	s18 =	simm.s32 @p1 $0x0;
	s20 =	ssub.s32 s20, s9;
	p0 =	slt.s32 s19, $0x1  }
0x4e: {  	s18 =	smul.u32 s18, s16;
	p1 =	slt.s32 @!p0 s20, $0x1  }
0x4f: {  	p1 =	por p0, p1  }
.Ltmp3:
0x50: {  	s18 =	sshll.u32 s18, $0x5;
	(pc) =	sbr.rel @p1 .LBB1_7-.Ltmp3, $4  }
0x51: {  	s18 =	sand.u32 $0x3FFFFFE0, s18  }
0x52: {  	_ =	swait.ge [sflag:s5], s18  }
0x53: {  	s21 =	sand.u32 $0x1, s13;
	s18 =	ssub.s32 $0x0, s18;
	[sflag:s5] =	ssyncset.done $0x0  }
0x54: {  	[sflag:s5] =	ssyncadd.s32 s18;
	s18 =	smul.u32 $0x1020, s21  }
0x55: {  	_ = 	snop  }
0x56: {  	s21 =	sshll.u32 @!p0 s21, $0xC;
	s24 =	simm.s32 $0x0;
	s22 =	sor.u32 @!p0 $0x2000, s18  }
.LBB1_4:
0x57: {  	s25 =	sshll.u32 s24, $0xE  }
0x58: {  	s25 =	sshra.s32 s25, $0x2  }
0x59: {  	s25 =	sadd.s32 s25, s21  }
0x5a: {  	v0 =	vmov s25  }
0x5b: {  	s26 =	simm.s32 $0x0  }
0x5c: {  	s27 =	smul.u32 $0x4080, s24;
	s30 =	sand.u32 $0x1E, s26  }
0x5d: {  	p0 =	sne.s32 s20, $0x1;
	s26 =	smul.u32 $0x204, s30  }
.Ltmp4:
0x5e: {  	s31 =	sshra.s32 s27, $0x2;
	s27 =	sand.u32 $0xFE0, s23;
	(pc) =	sbr.rel @!p0 .LBB1_6-.Ltmp4, $4  }
0x5f: {  	v1 =	vld.idx.msk [tilespmem:v0+s27+$0x0 ss:$0x1], $0xffff  }
0x60: {  	s25 =	sadd.s32 s31, s22;
	s26 =	sshrl.u32 s26, $0x2  }
0x61: {  	s28 =	sand.u32 $0x7F, s23;
	s29 =	sadd.s32 s26, s25  }
0x62: {  	s26 =	simm.s32 $0x1;
	s28 =	sadd.s32 s28, s29;
	s27 =	simm.s32 $0x20  }
.LBB1_5:
0x63: {  	s29 =	sand.u32 $0xFE0, s27  }
0x64: {  	s30 =	sshrl.u32 s26, $0x6;
	[tilespmem:s28+$0x0 ss:$0x81] =	vst.msk $0xffff, v1;
	s28 =	smov.u32 s26;
	s26 =	sadd.s32 $0x1, s26  }
0x65: {  	v1 =	vld.idx.msk [tilespmem:v0+s29+$0x0 ss:$0x1], $0xffff;
	s29 =	sand.u32 $0x1E, s30  }
0x66: {  	p0 =	sne.s32 s20, s26;
	s29 =	smul.u32 $0x204, s29  }
.Ltmp5:
0x67: {  	(pc) =	sbr.rel @p0 .LBB1_5-.Ltmp5, $4  }
0x68: {  	_ = 	snop  }
0x69: {  	s29 =	sshrl.u32 s29, $0x2  }
0x6a: {  	s28 =	sand.u32 $0x7F, s28;
	s29 =	sadd.s32 s29, s25  }
0x6b: {  	s27 =	sadd.s32 $0x20, s27;
	s28 =	sadd.s32 s28, s29  }
.LBB1_6:
0x6c: {  	s24 =	sadd.s32 $0x1, s24  }
0x6d: {  	p0 =	sne.s32 s24, s19  }
.Ltmp6:
0x6e: {  	_ = 	snop;
	(pc) =	sbr.rel @p0 .LBB1_4-.Ltmp6, $4  }
.Ltmp7:
0x6f: {  	_ = 	snop;
	(pc) =	sbr.rel @!p0 .LBB1_7-.Ltmp7, $4  }
0x70: {  	_ = 	snop  }
0x71: {  	_ = 	snop  }
0x72: {  	[tilespmem:s28+$0x0 ss:$0x81] =	vst.msk $0xffff, v1  }
0x73: {  	_ = 	snop  }
.LBB1_9:
0x74: {  	_ =	sfence.sel $0x180000  }
0x75: {  	s2 =	simm.s32 $0x1;
	[bflag:$0x0] =	sbarrier.arrive $0xFFFF  }
0x76: {  	s31 =	simm.s32 $0x2;
	[sflag:s2] =	ssyncpa.u1 $0x1  }
0x77: {  	[sflag:s31] =	ssyncpa.u1 $0x1  }
0x78: {  	p0 =	sne.s32 s1, $0x0;
	_ =	strace $0x9000004A  }
0x79: {  	s0 =	sadd.s32 @!p0 $0x100000, s0;
	[bflag:$0x2] =	sbarrier.arrive $0xFFFF  }
0x7a: {  	[sflag:s0] =	ssyncadd.tile.s32 @!p0 $0x1;
	_ =	shalt  }
.Lfunc_end1:
_tile_overlayer_lowered:
.L_overlay_start_2:
0x7b: {  	(tag) =	ssettag $0x2  }
0x7c: {  	s0 =	rddreg [dreg:$0x0];
	s2 =	stileid.u32  }
0x7d: {  	s1 =	rddreg [dreg:$0x1];
	p0 =	sne.s32 s2, $0x0  }
0x7e: {  	s3 =	rddreg [dreg:$0x2];
	[bflag:$0x3] =	sbarrier.arrive $0xFFFF;
	s2 =	simm.s32 @!p0 $0x1C01  }
0x7f: {  	[timem:s3], [sflag:s2] =	dma.local @!p0 [hbm:s0], s1  }
0x80: {  	s0 =	simm.s32 @!p0 $0x1  }
0x81: {  	_ =	swait.ge @!p0 [sflag:s0], s1  }
0x82: {  	s1 =	ssub.s32 @!p0 $0x0, s1;
	[sflag:s0] =	ssyncset.done @!p0 $0x0  }
0x83: {  	[sflag:s0] =	ssyncadd.s32 @!p0 s1  }
0x84: {  	[bflag:$0x3] =	sbarrier.arrive $0xFFFF  }
0x85: {  	_ =	shalt  }

</sc_bundles>
